<compile_context>
chip_gen: v7x
topology: tpu7x:2x2x1
jax: 0.10.2.dev20260603
libtpu: 0.0.44.dev20260713+nightly
codegen_flags: <defaults>
</compile_context>

<pallas_src>
import functools

import jax
import jax.numpy as jnp
from jax import lax
from jax.experimental import pallas as pl
from jax.experimental.pallas import tpu as pltpu
from jax.experimental.pallas import tpu_sc as plsc

_SC_CORES = 2
_SC_SUBCORES = 16
_NW = _SC_CORES * _SC_SUBCORES
_HBITS = 12
_HBINS = 1 << _HBITS
_HSIZE = _HBINS * 16
_MIN32 = -2147483648


def _sc_hist_body(shard, chunk, nchunk, x_hbm, out_hbm, buf0, buf1, hist_v, sem0, sem1):
    cid = lax.axis_index("c")
    sid = lax.axis_index("s")
    wid = cid * _SC_SUBCORES + sid
    base = wid * shard
    lane = lax.iota(jnp.int32, 16)
    ones = jnp.ones((16,), jnp.int32)

    def zero(i, _):
        hist_v[pl.ds(i * 16, 16)] = jnp.zeros((16,), jnp.int32)
        return 0

    lax.fori_loop(0, _HSIZE // 16, zero, 0, unroll=8)

    def process(buf):
        def inner(v8, _):
            ibs = [buf[pl.ds((v8 * 8 + j) * 16, 16)] for j in range(8)]
            idxs = []
            for ib in ibs:
                m = lax.shift_right_arithmetic(ib, 31)
                key = lax.bitwise_xor(ib, lax.bitwise_or(m, jnp.int32(_MIN32)))
                idx = lax.bitwise_or(
                    lax.bitwise_and(
                        lax.shift_right_logical(key, 32 - _HBITS - 4),
                        jnp.int32((_HBINS - 1) << 4),
                    ),
                    lane,
                )
                idxs.append(idx)
            for idx in idxs:
                plsc.addupdate_scatter(hist_v, (idx,), ones)
            return 0

        lax.fori_loop(0, chunk // 128, inner, 0, unroll=2)

    def chunk_src(c):
        return x_hbm.at[pl.ds(base + c * chunk, chunk)]

    pltpu.async_copy(chunk_src(0), buf0, sem0)
    pltpu.async_copy(chunk_src(1), buf1, sem1)

    def loop(c2, _):
        for bi, (bf, sem) in enumerate(((buf0, sem0), (buf1, sem1))):
            c = c2 * 2 + bi
            pltpu.make_async_copy(chunk_src(c), bf, sem).wait()
            process(bf)
            pltpu.async_copy(chunk_src(c + 2), bf, sem)
        return 0

    lax.fori_loop(0, (nchunk - 2) // 2, loop, 0)
    for bi, (bf, sem) in enumerate(((buf0, sem0), (buf1, sem1))):
        c = nchunk - 2 + bi
        pltpu.make_async_copy(chunk_src(c), bf, sem).wait()
        process(bf)
    pltpu.sync_copy(hist_v, out_hbm.at[wid])


def _sc_hist(xflat, b, n, chunk, interpret=False):
    wpr = _NW // b
    shard = n // wpr
    nchunk = shard // chunk
    assert shard * wpr == n and nchunk * chunk == shard and nchunk % 2 == 0
    mesh = plsc.VectorSubcoreMesh(core_axis_name="c", subcore_axis_name="s")
    f = pl.kernel(
        functools.partial(_sc_hist_body, shard, chunk, nchunk),
        out_type=jax.ShapeDtypeStruct((_NW, _HSIZE), jnp.int32),
        mesh=mesh,
        scratch_types=[
            pltpu.VMEM((chunk,), jnp.int32),
            pltpu.VMEM((chunk,), jnp.int32),
            pltpu.VMEM((_HSIZE,), jnp.int32),
            pltpu.SemaphoreType.DMA,
            pltpu.SemaphoreType.DMA,
        ],
        compiler_params=pltpu.CompilerParams(needs_layout_passes=False),
        interpret=interpret,
    )
    return f(xflat)


def _kwta_row_kernel(k, x_hbm, p0_ref, out_hbm, buf, key_buf, in_sem, out_sem):
    b = pl.program_id(0)
    cp_in = pltpu.make_async_copy(x_hbm.at[b], buf, in_sem)
    cp_in.start()
    cp_in.wait()

    xv = buf[...]
    ibits = pltpu.bitcast(xv, jnp.int32)
    skey = ibits ^ jnp.bitwise_and(
        jnp.right_shift(ibits, 31), jnp.int32(0x7FFFFFFF)
    )
    key_buf[...] = skey

    rows = key_buf.shape[0]
    acc_rows = 64

    def step(i, p):
        cand = p | (jnp.int32(1) << (31 - i))
        st = cand ^ jnp.int32(-2147483648)

        def chunk(j, acc):
            blk = key_buf[pl.ds(j * acc_rows, acc_rows), :]
            return acc + (blk >= st).astype(jnp.int32)

        acc = jax.lax.fori_loop(
            0,
            rows // acc_rows,
            chunk,
            jnp.zeros((acc_rows, 128), jnp.int32),
            unroll=8,
        )
        cnt = jnp.sum(acc, axis=0, keepdims=True)
        total = jnp.sum(cnt, axis=1, keepdims=True)
        return jnp.where(total >= k, cand, p)

    p0 = jnp.full((1, 128), p0_ref[b], jnp.int32)
    p_final = jax.lax.fori_loop(32, 32, step, p0, unroll=False)
    kth_key = p_final ^ jnp.int32(-2147483648)

    kth_bits = kth_key ^ jnp.bitwise_and(
        jnp.right_shift(kth_key, 31), jnp.int32(0x7FFFFFFF)
    )
    topval = pltpu.bitcast(kth_bits, jnp.float32)
    buf[...] = jnp.where(xv >= topval, xv, jnp.float32(0.0))

    cp_out = pltpu.make_async_copy(buf, out_hbm.at[b], out_sem)
    cp_out.start()
    cp_out.wait()


def _kwta_2d(x2d, k, chunk=12288, interpret=False):
    b, n = x2d.shape
    assert n % 1024 == 0, n
    rows = n // 128
    x3 = x2d.reshape(b, rows, 128)

    hist = _sc_hist(lax.bitcast_convert_type(x2d.reshape(b * n), jnp.int32), b, n, chunk, interpret=interpret)
    h = hist.reshape(b, _NW // b, _HBINS, 16).sum(axis=(1, 3))
    surv = jnp.cumsum(h[:, ::-1], axis=1)[:, ::-1]
    b1 = jnp.sum((surv >= k).astype(jnp.int32), axis=1) - 1
    p0 = jnp.left_shift(b1, 32 - _HBITS)

    out = pl.pallas_call(
        functools.partial(_kwta_row_kernel, k),
        grid=(b,),
        in_specs=[
            pl.BlockSpec(memory_space=pl.ANY),
            pl.BlockSpec(memory_space=pltpu.SMEM),
        ],
        out_specs=pl.BlockSpec(memory_space=pl.ANY),
        out_shape=jax.ShapeDtypeStruct((b, rows, 128), jnp.float32),
        scratch_shapes=[
            pltpu.VMEM((rows, 128), jnp.float32),
            pltpu.VMEM((rows, 128), jnp.int32),
            pltpu.SemaphoreType.DMA,
            pltpu.SemaphoreType.DMA,
        ],
        interpret=interpret,
    )(x3, p0)
    return out.reshape(b, n)


def kernel(x):
    b = x.shape[0]
    size = x.shape[1] * x.shape[2] * x.shape[3]
    k = int(0.1 * size)
    out = _kwta_2d(x.reshape(b, size), k)
    return out.reshape(x.shape)

# --- scband reference (transcript-rebuilt; emitter-appended) ---
"""Pipeline reference for scband-k-wta-34050500722819 (READ-ONLY COPY).

The authoritative reference and input builder live on the scoring server;
editing this copy changes nothing except your own understanding.
"""

import jax, jax.numpy as jnp
import numpy as np

SR = 0.1  # sparsity ratio; original module reads self.sr (set externally, not in __init__)

def setup_inputs(seed: int = 0) -> dict:
    key = jax.random.key(seed)
    x = jax.random.normal(key, (8, 96, 224, 224), dtype=jnp.float32)
    return {"x": x}

def reference(x):
    # size = C*H*W of the activation map
    size = x.shape[1] * x.shape[2] * x.shape[3]
    k = int(SR * size)
    b = x.shape[0]
    tmpx = x.reshape(b, -1)
    # k-th largest value per batch row (torch: tmpx.topk(k, dim=1)[0][:, -1])
    topval = jax.lax.top_k(tmpx, k)[0][:, -1]
    # torch repeats/permutes topval to view_as(x); broadcasting is equivalent
    topval_b = topval[:, None, None, None]
    comp = (x >= topval_b).astype(x.dtype)
    return comp * x

if __name__ == "__main__":
    import jax
    _d = setup_inputs()
    print(jax.jit(kernel)(*tuple(_d.values())))

</pallas_src>

<mosaic_0001>
#map = affine_map<(d0, d1) -> (0)>
#map1 = affine_map<(d0, d1) -> (0, 0)>
module attributes {stable_mosaic.version = 14 : i64} {
  func.func @_sc_hist_body(%arg0: i32, %arg1: i32, %arg2: memref<38535168xi32, #tpu.memory_space<hbm>>, %arg3: memref<32x65536xi32, #tpu.memory_space<hbm>>, %arg4: memref<12288xi32, #tpu.memory_space<vmem>>, %arg5: memref<12288xi32, #tpu.memory_space<vmem>>, %arg6: memref<65536xi32, #tpu.memory_space<vmem>>, %arg7: memref<!tpu.dma_semaphore, #tpu.memory_space<semaphore_mem>>, %arg8: memref<!tpu.dma_semaphore, #tpu.memory_space<semaphore_mem>>) attributes {dimension_semantics = [#tpu.dimension_semantics<core_parallel>, #tpu.dimension_semantics<subcore_parallel>], iteration_bounds = array<i64: 2, 16>, scalar_prefetch = 0 : i64, scratch_operands = 5 : i64, tpu.core_type = #tpu.core_type<sc_vector_subcore>, window_params = [{transform_indices = #map}, {transform_indices = #map1}]} {
    %mul3A = arith.constant 16 : i32
    %mul3A_0 = arith.muli %arg0, %mul3A : i32
    %add3A = arith.addi %mul3A_0, %arg1 : i32
    %mul3A_1 = arith.constant 1204224 : i32
    %mul3A_2 = arith.muli %add3A, %mul3A_1 : i32
    %iota3A = tpu.iota {dimensions = array<i32: 0>} : vector<16xi32>
    %broadcast_in_dim3A = arith.constant 1 : i32
    %broadcast_in_dim3A_3 = vector.broadcast %broadcast_in_dim3A : i32 to vector<16xi32>
    %scan3A = arith.constant 0 : i32
    %scan3A_4 = arith.constant 0 : i32
    %scan3A_5 = arith.constant 4096 : i32
    %scan3A_6 = arith.addi %scan3A_4, %scan3A_5 : i32
    %scan3A_7 = arith.constant 8 : i32
    %scan3A_8 = scf.for %scan3A_45 = %scan3A_4 to %scan3A_6 step %scan3A_7 iter_args(%scan3A_46 = %scan3A) -> (i32)  : i32 {
      %broadcast_in_dim3A_47 = arith.constant 0 : i32
      %broadcast_in_dim3A_48 = vector.broadcast %broadcast_in_dim3A_47 : i32 to vector<16xi32>
      %mul3A_49 = arith.constant 16 : i32
      %mul3A_50 = arith.muli %scan3A_45, %mul3A_49 : i32
      %swap3A = arith.index_cast %mul3A_50 : i32 to index
      %swap3A_51 = tpu.vector_load %arg6[%swap3A] {strides = array<i32>} : memref<65536xi32, #tpu.memory_space<vmem>>, vector<16xi32>,
      tpu.vector_store %arg6[%swap3A], %broadcast_in_dim3A_48 {strides = array<i32>} : memref<65536xi32, #tpu.memory_space<vmem>>, vector<16xi32>,
      %scan3A_52 = arith.constant 0 : i32
      %scan3A_53 = arith.constant 1 : i32
      %scan3A_54 = arith.addi %scan3A_45, %scan3A_53 : i32
      %broadcast_in_dim3A_55 = arith.constant 0 : i32
      %broadcast_in_dim3A_56 = vector.broadcast %broadcast_in_dim3A_55 : i32 to vector<16xi32>
      %mul3A_57 = arith.constant 16 : i32
      %mul3A_58 = arith.muli %scan3A_54, %mul3A_57 : i32
      %swap3A_59 = arith.index_cast %mul3A_58 : i32 to index
      %swap3A_60 = tpu.vector_load %arg6[%swap3A_59] {strides = array<i32>} : memref<65536xi32, #tpu.memory_space<vmem>>, vector<16xi32>,
      tpu.vector_store %arg6[%swap3A_59], %broadcast_in_dim3A_56 {strides = array<i32>} : memref<65536xi32, #tpu.memory_space<vmem>>, vector<16xi32>,
      %scan3A_61 = arith.constant 0 : i32
      %scan3A_62 = arith.constant 2 : i32
      %scan3A_63 = arith.addi %scan3A_45, %scan3A_62 : i32
      %broadcast_in_dim3A_64 = arith.constant 0 : i32
      %broadcast_in_dim3A_65 = vector.broadcast %broadcast_in_dim3A_64 : i32 to vector<16xi32>
      %mul3A_66 = arith.constant 16 : i32
      %mul3A_67 = arith.muli %scan3A_63, %mul3A_66 : i32
      %swap3A_68 = arith.index_cast %mul3A_67 : i32 to index
      %swap3A_69 = tpu.vector_load %arg6[%swap3A_68] {strides = array<i32>} : memref<65536xi32, #tpu.memory_space<vmem>>, vector<16xi32>,
      tpu.vector_store %arg6[%swap3A_68], %broadcast_in_dim3A_65 {strides = array<i32>} : memref<65536xi32, #tpu.memory_space<vmem>>, vector<16xi32>,
      %scan3A_70 = arith.constant 0 : i32
      %scan3A_71 = arith.constant 3 : i32
      %scan3A_72 = arith.addi %scan3A_45, %scan3A_71 : i32
      %broadcast_in_dim3A_73 = arith.constant 0 : i32
      %broadcast_in_dim3A_74 = vector.broadcast %broadcast_in_dim3A_73 : i32 to vector<16xi32>
      %mul3A_75 = arith.constant 16 : i32
      %mul3A_76 = arith.muli %scan3A_72, %mul3A_75 : i32
      %swap3A_77 = arith.index_cast %mul3A_76 : i32 to index
      %swap3A_78 = tpu.vector_load %arg6[%swap3A_77] {strides = array<i32>} : memref<65536xi32, #tpu.memory_space<vmem>>, vector<16xi32>,
      tpu.vector_store %arg6[%swap3A_77], %broadcast_in_dim3A_74 {strides = array<i32>} : memref<65536xi32, #tpu.memory_space<vmem>>, vector<16xi32>,
      %scan3A_79 = arith.constant 0 : i32
      %scan3A_80 = arith.constant 4 : i32
      %scan3A_81 = arith.addi %scan3A_45, %scan3A_80 : i32
      %broadcast_in_dim3A_82 = arith.constant 0 : i32
      %broadcast_in_dim3A_83 = vector.broadcast %broadcast_in_dim3A_82 : i32 to vector<16xi32>
      %mul3A_84 = arith.constant 16 : i32
      %mul3A_85 = arith.muli %scan3A_81, %mul3A_84 : i32
      %swap3A_86 = arith.index_cast %mul3A_85 : i32 to index
      %swap3A_87 = tpu.vector_load %arg6[%swap3A_86] {strides = array<i32>} : memref<65536xi32, #tpu.memory_space<vmem>>, vector<16xi32>,
      tpu.vector_store %arg6[%swap3A_86], %broadcast_in_dim3A_83 {strides = array<i32>} : memref<65536xi32, #tpu.memory_space<vmem>>, vector<16xi32>,
      %scan3A_88 = arith.constant 0 : i32
      %scan3A_89 = arith.constant 5 : i32
      %scan3A_90 = arith.addi %scan3A_45, %scan3A_89 : i32
      %broadcast_in_dim3A_91 = arith.constant 0 : i32
      %broadcast_in_dim3A_92 = vector.broadcast %broadcast_in_dim3A_91 : i32 to vector<16xi32>
      %mul3A_93 = arith.constant 16 : i32
      %mul3A_94 = arith.muli %scan3A_90, %mul3A_93 : i32
      %swap3A_95 = arith.index_cast %mul3A_94 : i32 to index
      %swap3A_96 = tpu.vector_load %arg6[%swap3A_95] {strides = array<i32>} : memref<65536xi32, #tpu.memory_space<vmem>>, vector<16xi32>,
      tpu.vector_store %arg6[%swap3A_95], %broadcast_in_dim3A_92 {strides = array<i32>} : memref<65536xi32, #tpu.memory_space<vmem>>, vector<16xi32>,
      %scan3A_97 = arith.constant 0 : i32
      %scan3A_98 = arith.constant 6 : i32
      %scan3A_99 = arith.addi %scan3A_45, %scan3A_98 : i32
      %broadcast_in_dim3A_100 = arith.constant 0 : i32
      %broadcast_in_dim3A_101 = vector.broadcast %broadcast_in_dim3A_100 : i32 to vector<16xi32>
      %mul3A_102 = arith.constant 16 : i32
      %mul3A_103 = arith.muli %scan3A_99, %mul3A_102 : i32
      %swap3A_104 = arith.index_cast %mul3A_103 : i32 to index
      %swap3A_105 = tpu.vector_load %arg6[%swap3A_104] {strides = array<i32>} : memref<65536xi32, #tpu.memory_space<vmem>>, vector<16xi32>,
      tpu.vector_store %arg6[%swap3A_104], %broadcast_in_dim3A_101 {strides = array<i32>} : memref<65536xi32, #tpu.memory_space<vmem>>, vector<16xi32>,
      %scan3A_106 = arith.constant 0 : i32
      %scan3A_107 = arith.constant 7 : i32
      %scan3A_108 = arith.addi %scan3A_45, %scan3A_107 : i32
      %broadcast_in_dim3A_109 = arith.constant 0 : i32
      %broadcast_in_dim3A_110 = vector.broadcast %broadcast_in_dim3A_109 : i32 to vector<16xi32>
      %mul3A_111 = arith.constant 16 : i32
      %mul3A_112 = arith.muli %scan3A_108, %mul3A_111 : i32
      %swap3A_113 = arith.index_cast %mul3A_112 : i32 to index
      %swap3A_114 = tpu.vector_load %arg6[%swap3A_113] {strides = array<i32>} : memref<65536xi32, #tpu.memory_space<vmem>>, vector<16xi32>,
      tpu.vector_store %arg6[%swap3A_113], %broadcast_in_dim3A_110 {strides = array<i32>} : memref<65536xi32, #tpu.memory_space<vmem>>, vector<16xi32>,
      %scan3A_115 = arith.constant 0 : i32
      scf.yield %scan3A_115 : i32
    }
    %scan3A_9 = arith.constant 4096 : i32
    %add3A_10 = arith.constant 0 : i32
    %add3A_11 = arith.addi %mul3A_2, %add3A_10 : i32
    %dma_start3A = tpu.memref_slice %arg2[%add3A_11] : memref<38535168xi32, #tpu.memory_space<hbm>> -> memref<12288xi32, #tpu.memory_space<hbm>>
    %dma_start3A_12 = tpu.memref_slice %arg2[%add3A_11] : memref<38535168xi32, #tpu.memory_space<hbm>> -> memref<12288xi32, #tpu.memory_space<hbm>>
    tpu.enqueue_dma source(%dma_start3A_12 : memref<12288xi32, #tpu.memory_space<hbm>>) target(%arg4 : memref<12288xi32, #tpu.memory_space<vmem>>) target_semaphore(%arg7 : memref<!tpu.dma_semaphore, #tpu.memory_space<semaphore_mem>>)
    %add3A_13 = arith.constant 12288 : i32
    %add3A_14 = arith.addi %mul3A_2, %add3A_13 : i32
    %dma_start3A_15 = tpu.memref_slice %arg2[%add3A_14] : memref<38535168xi32, #tpu.memory_space<hbm>> -> memref<12288xi32, #tpu.memory_space<hbm>>
    %dma_start3A_16 = tpu.memref_slice %arg2[%add3A_14] : memref<38535168xi32, #tpu.memory_space<hbm>> -> memref<12288xi32, #tpu.memory_space<hbm>>
    tpu.enqueue_dma source(%dma_start3A_16 : memref<12288xi32, #tpu.memory_space<hbm>>) target(%arg5 : memref<12288xi32, #tpu.memory_space<vmem>>) target_semaphore(%arg8 : memref<!tpu.dma_semaphore, #tpu.memory_space<semaphore_mem>>)
    %scan3A_17 = arith.constant 0 : i32
    %scan3A_18 = arith.constant 0 : i32
    %scan3A_19 = arith.constant 48 : i32
    %scan3A_20 = arith.addi %scan3A_18, %scan3A_19 : i32
    %scan3A_21 = arith.constant 1 : i32
    %scan3A_22 = scf.for %scan3A_45 = %scan3A_18 to %scan3A_20 step %scan3A_21 iter_args(%scan3A_46 = %scan3A_17) -> (i32)  : i32 {
      %mul3A_47 = arith.constant 2 : i32
      %mul3A_48 = arith.muli %scan3A_45, %mul3A_47 : i32
      %add3A_49 = arith.constant 0 : i32
      %add3A_50 = arith.addi %mul3A_48, %add3A_49 : i32
      %mul3A_51 = arith.constant 12288 : i32
      %mul3A_52 = arith.muli %add3A_50, %mul3A_51 : i32
      %add3A_53 = arith.addi %mul3A_2, %mul3A_52 : i32
      %dma_wait3A_54 = tpu.memref_slice %arg2[%add3A_53] : memref<38535168xi32, #tpu.memory_space<hbm>> -> memref<12288xi32, #tpu.memory_space<hbm>>
      %dma_wait3A_55 = tpu.memref_slice %arg2[%add3A_53] : memref<38535168xi32, #tpu.memory_space<hbm>> -> memref<12288xi32, #tpu.memory_space<hbm>>
      tpu.wait_dma2 semaphore(%arg7 : memref<!tpu.dma_semaphore, #tpu.memory_space<semaphore_mem>>) src(%dma_wait3A_55 : memref<12288xi32, #tpu.memory_space<hbm>>) dst(%arg4 : memref<12288xi32, #tpu.memory_space<vmem>>)
      %scan3A_56 = arith.constant 0 : i32
      %scan3A_57 = arith.constant 0 : i32
      %scan3A_58 = arith.constant 96 : i32
      %scan3A_59 = arith.addi %scan3A_57, %scan3A_58 : i32
      %scan3A_60 = arith.constant 2 : i32
      %scan3A_61 = scf.for %scan3A_94 = %scan3A_57 to %scan3A_59 step %scan3A_60 iter_args(%scan3A_95 = %scan3A_56) -> (i32)  : i32 {
        %mul3A_96 = arith.constant 8 : i32
        %mul3A_97 = arith.muli %scan3A_94, %mul3A_96 : i32
        %add3A_98 = arith.constant 0 : i32
        %add3A_99 = arith.addi %mul3A_97, %add3A_98 : i32
        %mul3A_100 = arith.constant 16 : i32
        %mul3A_101 = arith.muli %add3A_99, %mul3A_100 : i32
        %get3A = arith.index_cast %mul3A_101 : i32 to index
        %get3A_102 = tpu.vector_load %arg4[%get3A] {strides = array<i32>} : memref<12288xi32, #tpu.memory_space<vmem>>, vector<16xi32>,
        %mul3A_103 = arith.constant 8 : i32
        %mul3A_104 = arith.muli %scan3A_94, %mul3A_103 : i32
        %add3A_105 = arith.constant 1 : i32
        %add3A_106 = arith.addi %mul3A_104, %add3A_105 : i32
        %mul3A_107 = arith.constant 16 : i32
        %mul3A_108 = arith.muli %add3A_106, %mul3A_107 : i32
        %get3A_109 = arith.index_cast %mul3A_108 : i32 to index
        %get3A_110 = tpu.vector_load %arg4[%get3A_109] {strides = array<i32>} : memref<12288xi32, #tpu.memory_space<vmem>>, vector<16xi32>,
        %mul3A_111 = arith.constant 8 : i32
        %mul3A_112 = arith.muli %scan3A_94, %mul3A_111 : i32
        %add3A_113 = arith.constant 2 : i32
        %add3A_114 = arith.addi %mul3A_112, %add3A_113 : i32
        %mul3A_115 = arith.constant 16 : i32
        %mul3A_116 = arith.muli %add3A_114, %mul3A_115 : i32
        %get3A_117 = arith.index_cast %mul3A_116 : i32 to index
        %get3A_118 = tpu.vector_load %arg4[%get3A_117] {strides = array<i32>} : memref<12288xi32, #tpu.memory_space<vmem>>, vector<16xi32>,
        %mul3A_119 = arith.constant 8 : i32
        %mul3A_120 = arith.muli %scan3A_94, %mul3A_119 : i32
        %add3A_121 = arith.constant 3 : i32
        %add3A_122 = arith.addi %mul3A_120, %add3A_121 : i32
        %mul3A_123 = arith.constant 16 : i32
        %mul3A_124 = arith.muli %add3A_122, %mul3A_123 : i32
        %get3A_125 = arith.index_cast %mul3A_124 : i32 to index
        %get3A_126 = tpu.vector_load %arg4[%get3A_125] {strides = array<i32>} : memref<12288xi32, #tpu.memory_space<vmem>>, vector<16xi32>,
        %mul3A_127 = arith.constant 8 : i32
        %mul3A_128 = arith.muli %scan3A_94, %mul3A_127 : i32
        %add3A_129 = arith.constant 4 : i32
        %add3A_130 = arith.addi %mul3A_128, %add3A_129 : i32
        %mul3A_131 = arith.constant 16 : i32
        %mul3A_132 = arith.muli %add3A_130, %mul3A_131 : i32
        %get3A_133 = arith.index_cast %mul3A_132 : i32 to index
        %get3A_134 = tpu.vector_load %arg4[%get3A_133] {strides = array<i32>} : memref<12288xi32, #tpu.memory_space<vmem>>, vector<16xi32>,
        %mul3A_135 = arith.constant 8 : i32
        %mul3A_136 = arith.muli %scan3A_94, %mul3A_135 : i32
        %add3A_137 = arith.constant 5 : i32
        %add3A_138 = arith.addi %mul3A_136, %add3A_137 : i32
        %mul3A_139 = arith.constant 16 : i32
        %mul3A_140 = arith.muli %add3A_138, %mul3A_139 : i32
        %get3A_141 = arith.index_cast %mul3A_140 : i32 to index
        %get3A_142 = tpu.vector_load %arg4[%get3A_141] {strides = array<i32>} : memref<12288xi32, #tpu.memory_space<vmem>>, vector<16xi32>,
        %mul3A_143 = arith.constant 8 : i32
        %mul3A_144 = arith.muli %scan3A_94, %mul3A_143 : i32
        %add3A_145 = arith.constant 6 : i32
        %add3A_146 = arith.addi %mul3A_144, %add3A_145 : i32
        %mul3A_147 = arith.constant 16 : i32
        %mul3A_148 = arith.muli %add3A_146, %mul3A_147 : i32
        %get3A_149 = arith.index_cast %mul3A_148 : i32 to index
        %get3A_150 = tpu.vector_load %arg4[%get3A_149] {strides = array<i32>} : memref<12288xi32, #tpu.memory_space<vmem>>, vector<16xi32>,
        %mul3A_151 = arith.constant 8 : i32
        %mul3A_152 = arith.muli %scan3A_94, %mul3A_151 : i32
        %add3A_153 = arith.constant 7 : i32
        %add3A_154 = arith.addi %mul3A_152, %add3A_153 : i32
        %mul3A_155 = arith.constant 16 : i32
        %mul3A_156 = arith.muli %add3A_154, %mul3A_155 : i32
        %get3A_157 = arith.index_cast %mul3A_156 : i32 to index
        %get3A_158 = tpu.vector_load %arg4[%get3A_157] {strides = array<i32>} : memref<12288xi32, #tpu.memory_space<vmem>>, vector<16xi32>,
        %shift_right_arithmetic3A = arith.constant 31 : i32
        %shift_right_arithmetic3A_159 = vector.broadcast %shift_right_arithmetic3A : i32 to vector<16xi32>
        %shift_right_arithmetic3A_160 = arith.shrsi %get3A_102, %shift_right_arithmetic3A_159 : vector<16xi32>
        %or3A = arith.constant -2147483648 : i32
        %or3A_161 = vector.broadcast %or3A : i32 to vector<16xi32>
        %or3A_162 = arith.ori %shift_right_arithmetic3A_160, %or3A_161 : vector<16xi32>
        %xor3A = arith.xori %get3A_102, %or3A_162 : vector<16xi32>
        %shift_right_logical3A = arith.constant 16 : i32
        %shift_right_logical3A_163 = vector.broadcast %shift_right_logical3A : i32 to vector<16xi32>
        %shift_right_logical3A_164 = arith.shrui %xor3A, %shift_right_logical3A_163 : vector<16xi32>
        %and3A = arith.constant 65520 : i32
        %and3A_165 = vector.broadcast %and3A : i32 to vector<16xi32>
        %and3A_166 = arith.andi %shift_right_logical3A_164, %and3A_165 : vector<16xi32>
        %or3A_167 = arith.ori %and3A_166, %iota3A : vector<16xi32>
        %shift_right_arithmetic3A_168 = arith.constant 31 : i32
        %shift_right_arithmetic3A_169 = vector.broadcast %shift_right_arithmetic3A_168 : i32 to vector<16xi32>
        %shift_right_arithmetic3A_170 = arith.shrsi %get3A_110, %shift_right_arithmetic3A_169 : vector<16xi32>
        %or3A_171 = arith.constant -2147483648 : i32
        %or3A_172 = vector.broadcast %or3A_171 : i32 to vector<16xi32>
        %or3A_173 = arith.ori %shift_right_arithmetic3A_170, %or3A_172 : vector<16xi32>
        %xor3A_174 = arith.xori %get3A_110, %or3A_173 : vector<16xi32>
        %shift_right_logical3A_175 = arith.constant 16 : i32
        %shift_right_logical3A_176 = vector.broadcast %shift_right_logical3A_175 : i32 to vector<16xi32>
        %shift_right_logical3A_177 = arith.shrui %xor3A_174, %shift_right_logical3A_176 : vector<16xi32>
        %and3A_178 = arith.constant 65520 : i32
        %and3A_179 = vector.broadcast %and3A_178 : i32 to vector<16xi32>
        %and3A_180 = arith.andi %shift_right_logical3A_177, %and3A_179 : vector<16xi32>
        %or3A_181 = arith.ori %and3A_180, %iota3A : vector<16xi32>
        %shift_right_arithmetic3A_182 = arith.constant 31 : i32
        %shift_right_arithmetic3A_183 = vector.broadcast %shift_right_arithmetic3A_182 : i32 to vector<16xi32>
        %shift_right_arithmetic3A_184 = arith.shrsi %get3A_118, %shift_right_arithmetic3A_183 : vector<16xi32>
        %or3A_185 = arith.constant -2147483648 : i32
        %or3A_186 = vector.broadcast %or3A_185 : i32 to vector<16xi32>
        %or3A_187 = arith.ori %shift_right_arithmetic3A_184, %or3A_186 : vector<16xi32>
        %xor3A_188 = arith.xori %get3A_118, %or3A_187 : vector<16xi32>
        %shift_right_logical3A_189 = arith.constant 16 : i32
        %shift_right_logical3A_190 = vector.broadcast %shift_right_logical3A_189 : i32 to vector<16xi32>
        %shift_right_logical3A_191 = arith.shrui %xor3A_188, %shift_right_logical3A_190 : vector<16xi32>
        %and3A_192 = arith.constant 65520 : i32
        %and3A_193 = vector.broadcast %and3A_192 : i32 to vector<16xi32>
        %and3A_194 = arith.andi %shift_right_logical3A_191, %and3A_193 : vector<16xi32>
        %or3A_195 = arith.ori %and3A_194, %iota3A : vector<16xi32>
        %shift_right_arithmetic3A_196 = arith.constant 31 : i32
        %shift_right_arithmetic3A_197 = vector.broadcast %shift_right_arithmetic3A_196 : i32 to vector<16xi32>
        %shift_right_arithmetic3A_198 = arith.shrsi %get3A_126, %shift_right_arithmetic3A_197 : vector<16xi32>
        %or3A_199 = arith.constant -2147483648 : i32
        %or3A_200 = vector.broadcast %or3A_199 : i32 to vector<16xi32>
        %or3A_201 = arith.ori %shift_right_arithmetic3A_198, %or3A_200 : vector<16xi32>
        %xor3A_202 = arith.xori %get3A_126, %or3A_201 : vector<16xi32>
        %shift_right_logical3A_203 = arith.constant 16 : i32
        %shift_right_logical3A_204 = vector.broadcast %shift_right_logical3A_203 : i32 to vector<16xi32>
        %shift_right_logical3A_205 = arith.shrui %xor3A_202, %shift_right_logical3A_204 : vector<16xi32>
        %and3A_206 = arith.constant 65520 : i32
        %and3A_207 = vector.broadcast %and3A_206 : i32 to vector<16xi32>
        %and3A_208 = arith.andi %shift_right_logical3A_205, %and3A_207 : vector<16xi32>
        %or3A_209 = arith.ori %and3A_208, %iota3A : vector<16xi32>
        %shift_right_arithmetic3A_210 = arith.constant 31 : i32
        %shift_right_arithmetic3A_211 = vector.broadcast %shift_right_arithmetic3A_210 : i32 to vector<16xi32>
        %shift_right_arithmetic3A_212 = arith.shrsi %get3A_134, %shift_right_arithmetic3A_211 : vector<16xi32>
        %or3A_213 = arith.constant -2147483648 : i32
        %or3A_214 = vector.broadcast %or3A_213 : i32 to vector<16xi32>
        %or3A_215 = arith.ori %shift_right_arithmetic3A_212, %or3A_214 : vector<16xi32>
        %xor3A_216 = arith.xori %get3A_134, %or3A_215 : vector<16xi32>
        %shift_right_logical3A_217 = arith.constant 16 : i32
        %shift_right_logical3A_218 = vector.broadcast %shift_right_logical3A_217 : i32 to vector<16xi32>
        %shift_right_logical3A_219 = arith.shrui %xor3A_216, %shift_right_logical3A_218 : vector<16xi32>
        %and3A_220 = arith.constant 65520 : i32
        %and3A_221 = vector.broadcast %and3A_220 : i32 to vector<16xi32>
        %and3A_222 = arith.andi %shift_right_logical3A_219, %and3A_221 : vector<16xi32>
        %or3A_223 = arith.ori %and3A_222, %iota3A : vector<16xi32>
        %shift_right_arithmetic3A_224 = arith.constant 31 : i32
        %shift_right_arithmetic3A_225 = vector.broadcast %shift_right_arithmetic3A_224 : i32 to vector<16xi32>
        %shift_right_arithmetic3A_226 = arith.shrsi %get3A_142, %shift_right_arithmetic3A_225 : vector<16xi32>
        %or3A_227 = arith.constant -2147483648 : i32
        %or3A_228 = vector.broadcast %or3A_227 : i32 to vector<16xi32>
        %or3A_229 = arith.ori %shift_right_arithmetic3A_226, %or3A_228 : vector<16xi32>
        %xor3A_230 = arith.xori %get3A_142, %or3A_229 : vector<16xi32>
        %shift_right_logical3A_231 = arith.constant 16 : i32
        %shift_right_logical3A_232 = vector.broadcast %shift_right_logical3A_231 : i32 to vector<16xi32>
        %shift_right_logical3A_233 = arith.shrui %xor3A_230, %shift_right_logical3A_232 : vector<16xi32>
        %and3A_234 = arith.constant 65520 : i32
        %and3A_235 = vector.broadcast %and3A_234 : i32 to vector<16xi32>
        %and3A_236 = arith.andi %shift_right_logical3A_233, %and3A_235 : vector<16xi32>
        %or3A_237 = arith.ori %and3A_236, %iota3A : vector<16xi32>
        %shift_right_arithmetic3A_238 = arith.constant 31 : i32
        %shift_right_arithmetic3A_239 = vector.broadcast %shift_right_arithmetic3A_238 : i32 to vector<16xi32>
        %shift_right_arithmetic3A_240 = arith.shrsi %get3A_150, %shift_right_arithmetic3A_239 : vector<16xi32>
        %or3A_241 = arith.constant -2147483648 : i32
        %or3A_242 = vector.broadcast %or3A_241 : i32 to vector<16xi32>
        %or3A_243 = arith.ori %shift_right_arithmetic3A_240, %or3A_242 : vector<16xi32>
        %xor3A_244 = arith.xori %get3A_150, %or3A_243 : vector<16xi32>
        %shift_right_logical3A_245 = arith.constant 16 : i32
        %shift_right_logical3A_246 = vector.broadcast %shift_right_logical3A_245 : i32 to vector<16xi32>
        %shift_right_logical3A_247 = arith.shrui %xor3A_244, %shift_right_logical3A_246 : vector<16xi32>
        %and3A_248 = arith.constant 65520 : i32
        %and3A_249 = vector.broadcast %and3A_248 : i32 to vector<16xi32>
        %and3A_250 = arith.andi %shift_right_logical3A_247, %and3A_249 : vector<16xi32>
        %or3A_251 = arith.ori %and3A_250, %iota3A : vector<16xi32>
        %shift_right_arithmetic3A_252 = arith.constant 31 : i32
        %shift_right_arithmetic3A_253 = vector.broadcast %shift_right_arithmetic3A_252 : i32 to vector<16xi32>
        %shift_right_arithmetic3A_254 = arith.shrsi %get3A_158, %shift_right_arithmetic3A_253 : vector<16xi32>
        %or3A_255 = arith.constant -2147483648 : i32
        %or3A_256 = vector.broadcast %or3A_255 : i32 to vector<16xi32>
        %or3A_257 = arith.ori %shift_right_arithmetic3A_254, %or3A_256 : vector<16xi32>
        %xor3A_258 = arith.xori %get3A_158, %or3A_257 : vector<16xi32>
        %shift_right_logical3A_259 = arith.constant 16 : i32
        %shift_right_logical3A_260 = vector.broadcast %shift_right_logical3A_259 : i32 to vector<16xi32>
        %shift_right_logical3A_261 = arith.shrui %xor3A_258, %shift_right_logical3A_260 : vector<16xi32>
        %and3A_262 = arith.constant 65520 : i32
        %and3A_263 = vector.broadcast %and3A_262 : i32 to vector<16xi32>
        %and3A_264 = arith.andi %shift_right_logical3A_261, %and3A_263 : vector<16xi32>
        %or3A_265 = arith.ori %and3A_264, %iota3A : vector<16xi32>
        tpu.vector_store_idx %arg6[%or3A_167], %broadcast_in_dim3A_3 {add = true} : memref<65536xi32, #tpu.memory_space<vmem>>[vector<16xi32>], vector<16xi32>,
        tpu.vector_store_idx %arg6[%or3A_181], %broadcast_in_dim3A_3 {add = true} : memref<65536xi32, #tpu.memory_space<vmem>>[vector<16xi32>], vector<16xi32>,
        tpu.vector_store_idx %arg6[%or3A_195], %broadcast_in_dim3A_3 {add = true} : memref<65536xi32, #tpu.memory_space<vmem>>[vector<16xi32>], vector<16xi32>,
        tpu.vector_store_idx %arg6[%or3A_209], %broadcast_in_dim3A_3 {add = true} : memref<65536xi32, #tpu.memory_space<vmem>>[vector<16xi32>], vector<16xi32>,
        tpu.vector_store_idx %arg6[%or3A_223], %broadcast_in_dim3A_3 {add = true} : memref<65536xi32, #tpu.memory_space<vmem>>[vector<16xi32>], vector<16xi32>,
        tpu.vector_store_idx %arg6[%or3A_237], %broadcast_in_dim3A_3 {add = true} : memref<65536xi32, #tpu.memory_space<vmem>>[vector<16xi32>], vector<16xi32>,
        tpu.vector_store_idx %arg6[%or3A_251], %broadcast_in_dim3A_3 {add = true} : memref<65536xi32, #tpu.memory_space<vmem>>[vector<16xi32>], vector<16xi32>,
        tpu.vector_store_idx %arg6[%or3A_265], %broadcast_in_dim3A_3 {add = true} : memref<65536xi32, #tpu.memory_space<vmem>>[vector<16xi32>], vector<16xi32>,
        %scan3A_266 = arith.constant 0 : i32
        %scan3A_267 = arith.constant 1 : i32
        %scan3A_268 = arith.addi %scan3A_94, %scan3A_267 : i32
        %mul3A_269 = arith.constant 8 : i32
        %mul3A_270 = arith.muli %scan3A_268, %mul3A_269 : i32
        %add3A_271 = arith.constant 0 : i32
        %add3A_272 = arith.addi %mul3A_270, %add3A_271 : i32
        %mul3A_273 = arith.constant 16 : i32
        %mul3A_274 = arith.muli %add3A_272, %mul3A_273 : i32
        %get3A_275 = arith.index_cast %mul3A_274 : i32 to index
        %get3A_276 = tpu.vector_load %arg4[%get3A_275] {strides = array<i32>} : memref<12288xi32, #tpu.memory_space<vmem>>, vector<16xi32>,
        %mul3A_277 = arith.constant 8 : i32
        %mul3A_278 = arith.muli %scan3A_268, %mul3A_277 : i32
        %add3A_279 = arith.constant 1 : i32
        %add3A_280 = arith.addi %mul3A_278, %add3A_279 : i32
        %mul3A_281 = arith.constant 16 : i32
        %mul3A_282 = arith.muli %add3A_280, %mul3A_281 : i32
        %get3A_283 = arith.index_cast %mul3A_282 : i32 to index
        %get3A_284 = tpu.vector_load %arg4[%get3A_283] {strides = array<i32>} : memref<12288xi32, #tpu.memory_space<vmem>>, vector<16xi32>,
        %mul3A_285 = arith.constant 8 : i32
        %mul3A_286 = arith.muli %scan3A_268, %mul3A_285 : i32
        %add3A_287 = arith.constant 2 : i32
        %add3A_288 = arith.addi %mul3A_286, %add3A_287 : i32
        %mul3A_289 = arith.constant 16 : i32
        %mul3A_290 = arith.muli %add3A_288, %mul3A_289 : i32
        %get3A_291 = arith.index_cast %mul3A_290 : i32 to index
        %get3A_292 = tpu.vector_load %arg4[%get3A_291] {strides = array<i32>} : memref<12288xi32, #tpu.memory_space<vmem>>, vector<16xi32>,
        %mul3A_293 = arith.constant 8 : i32
        %mul3A_294 = arith.muli %scan3A_268, %mul3A_293 : i32
        %add3A_295 = arith.constant 3 : i32
        %add3A_296 = arith.addi %mul3A_294, %add3A_295 : i32
        %mul3A_297 = arith.constant 16 : i32
        %mul3A_298 = arith.muli %add3A_296, %mul3A_297 : i32
        %get3A_299 = arith.index_cast %mul3A_298 : i32 to index
        %get3A_300 = tpu.vector_load %arg4[%get3A_299] {strides = array<i32>} : memref<12288xi32, #tpu.memory_space<vmem>>, vector<16xi32>,
        %mul3A_301 = arith.constant 8 : i32
        %mul3A_302 = arith.muli %scan3A_268, %mul3A_301 : i32
        %add3A_303 = arith.constant 4 : i32
        %add3A_304 = arith.addi %mul3A_302, %add3A_303 : i32
        %mul3A_305 = arith.constant 16 : i32
        %mul3A_306 = arith.muli %add3A_304, %mul3A_305 : i32
        %get3A_307 = arith.index_cast %mul3A_306 : i32 to index
        %get3A_308 = tpu.vector_load %arg4[%get3A_307] {strides = array<i32>} : memref<12288xi32, #tpu.memory_space<vmem>>, vector<16xi32>,
        %mul3A_309 = arith.constant 8 : i32
        %mul3A_310 = arith.muli %scan3A_268, %mul3A_309 : i32
        %add3A_311 = arith.constant 5 : i32
        %add3A_312 = arith.addi %mul3A_310, %add3A_311 : i32
        %mul3A_313 = arith.constant 16 : i32
        %mul3A_314 = arith.muli %add3A_312, %mul3A_313 : i32
        %get3A_315 = arith.index_cast %mul3A_314 : i32 to index
        %get3A_316 = tpu.vector_load %arg4[%get3A_315] {strides = array<i32>} : memref<12288xi32, #tpu.memory_space<vmem>>, vector<16xi32>,
        %mul3A_317 = arith.constant 8 : i32
        %mul3A_318 = arith.muli %scan3A_268, %mul3A_317 : i32
        %add3A_319 = arith.constant 6 : i32
        %add3A_320 = arith.addi %mul3A_318, %add3A_319 : i32
        %mul3A_321 = arith.constant 16 : i32
        %mul3A_322 = arith.muli %add3A_320, %mul3A_321 : i32
        %get3A_323 = arith.index_cast %mul3A_322 : i32 to index
        %get3A_324 = tpu.vector_load %arg4[%get3A_323] {strides = array<i32>} : memref<12288xi32, #tpu.memory_space<vmem>>, vector<16xi32>,
        %mul3A_325 = arith.constant 8 : i32
        %mul3A_326 = arith.muli %scan3A_268, %mul3A_325 : i32
        %add3A_327 = arith.constant 7 : i32
        %add3A_328 = arith.addi %mul3A_326, %add3A_327 : i32
        %mul3A_329 = arith.constant 16 : i32
        %mul3A_330 = arith.muli %add3A_328, %mul3A_329 : i32
        %get3A_331 = arith.index_cast %mul3A_330 : i32 to index
        %get3A_332 = tpu.vector_load %arg4[%get3A_331] {strides = array<i32>} : memref<12288xi32, #tpu.memory_space<vmem>>, vector<16xi32>,
        %shift_right_arithmetic3A_333 = arith.constant 31 : i32
        %shift_right_arithmetic3A_334 = vector.broadcast %shift_right_arithmetic3A_333 : i32 to vector<16xi32>
        %shift_right_arithmetic3A_335 = arith.shrsi %get3A_276, %shift_right_arithmetic3A_334 : vector<16xi32>
        %or3A_336 = arith.constant -2147483648 : i32
        %or3A_337 = vector.broadcast %or3A_336 : i32 to vector<16xi32>
        %or3A_338 = arith.ori %shift_right_arithmetic3A_335, %or3A_337 : vector<16xi32>
        %xor3A_339 = arith.xori %get3A_276, %or3A_338 : vector<16xi32>
        %shift_right_logical3A_340 = arith.constant 16 : i32
        %shift_right_logical3A_341 = vector.broadcast %shift_right_logical3A_340 : i32 to vector<16xi32>
        %shift_right_logical3A_342 = arith.shrui %xor3A_339, %shift_right_logical3A_341 : vector<16xi32>
        %and3A_343 = arith.constant 65520 : i32
        %and3A_344 = vector.broadcast %and3A_343 : i32 to vector<16xi32>
        %and3A_345 = arith.andi %shift_right_logical3A_342, %and3A_344 : vector<16xi32>
        %or3A_346 = arith.ori %and3A_345, %iota3A : vector<16xi32>
        %shift_right_arithmetic3A_347 = arith.constant 31 : i32
        %shift_right_arithmetic3A_348 = vector.broadcast %shift_right_arithmetic3A_347 : i32 to vector<16xi32>
        %shift_right_arithmetic3A_349 = arith.shrsi %get3A_284, %shift_right_arithmetic3A_348 : vector<16xi32>
        %or3A_350 = arith.constant -2147483648 : i32
        %or3A_351 = vector.broadcast %or3A_350 : i32 to vector<16xi32>
        %or3A_352 = arith.ori %shift_right_arithmetic3A_349, %or3A_351 : vector<16xi32>
        %xor3A_353 = arith.xori %get3A_284, %or3A_352 : vector<16xi32>
        %shift_right_logical3A_354 = arith.constant 16 : i32
        %shift_right_logical3A_355 = vector.broadcast %shift_right_logical3A_354 : i32 to vector<16xi32>
        %shift_right_logical3A_356 = arith.shrui %xor3A_353, %shift_right_logical3A_355 : vector<16xi32>
        %and3A_357 = arith.constant 65520 : i32
        %and3A_358 = vector.broadcast %and3A_357 : i32 to vector<16xi32>
        %and3A_359 = arith.andi %shift_right_logical3A_356, %and3A_358 : vector<16xi32>
        %or3A_360 = arith.ori %and3A_359, %iota3A : vector<16xi32>
        %shift_right_arithmetic3A_361 = arith.constant 31 : i32
        %shift_right_arithmetic3A_362 = vector.broadcast %shift_right_arithmetic3A_361 : i32 to vector<16xi32>
        %shift_right_arithmetic3A_363 = arith.shrsi %get3A_292, %shift_right_arithmetic3A_362 : vector<16xi32>
        %or3A_364 = arith.constant -2147483648 : i32
        %or3A_365 = vector.broadcast %or3A_364 : i32 to vector<16xi32>
        %or3A_366 = arith.ori %shift_right_arithmetic3A_363, %or3A_365 : vector<16xi32>
        %xor3A_367 = arith.xori %get3A_292, %or3A_366 : vector<16xi32>
        %shift_right_logical3A_368 = arith.constant 16 : i32
        %shift_right_logical3A_369 = vector.broadcast %shift_right_logical3A_368 : i32 to vector<16xi32>
        %shift_right_logical3A_370 = arith.shrui %xor3A_367, %shift_right_logical3A_369 : vector<16xi32>
        %and3A_371 = arith.constant 65520 : i32
        %and3A_372 = vector.broadcast %and3A_371 : i32 to vector<16xi32>
        %and3A_373 = arith.andi %shift_right_logical3A_370, %and3A_372 : vector<16xi32>
        %or3A_374 = arith.ori %and3A_373, %iota3A : vector<16xi32>
        %shift_right_arithmetic3A_375 = arith.constant 31 : i32
        %shift_right_arithmetic3A_376 = vector.broadcast %shift_right_arithmetic3A_375 : i32 to vector<16xi32>
        %shift_right_arithmetic3A_377 = arith.shrsi %get3A_300, %shift_right_arithmetic3A_376 : vector<16xi32>
        %or3A_378 = arith.constant -2147483648 : i32
        %or3A_379 = vector.broadcast %or3A_378 : i32 to vector<16xi32>
        %or3A_380 = arith.ori %shift_right_arithmetic3A_377, %or3A_379 : vector<16xi32>
        %xor3A_381 = arith.xori %get3A_300, %or3A_380 : vector<16xi32>
        %shift_right_logical3A_382 = arith.constant 16 : i32
        %shift_right_logical3A_383 = vector.broadcast %shift_right_logical3A_382 : i32 to vector<16xi32>
        %shift_right_logical3A_384 = arith.shrui %xor3A_381, %shift_right_logical3A_383 : vector<16xi32>
        %and3A_385 = arith.constant 65520 : i32
        %and3A_386 = vector.broadcast %and3A_385 : i32 to vector<16xi32>
        %and3A_387 = arith.andi %shift_right_logical3A_384, %and3A_386 : vector<16xi32>
        %or3A_388 = arith.ori %and3A_387, %iota3A : vector<16xi32>
        %shift_right_arithmetic3A_389 = arith.constant 31 : i32
        %shift_right_arithmetic3A_390 = vector.broadcast %shift_right_arithmetic3A_389 : i32 to vector<16xi32>
        %shift_right_arithmetic3A_391 = arith.shrsi %get3A_308, %shift_right_arithmetic3A_390 : vector<16xi32>
        %or3A_392 = arith.constant -2147483648 : i32
        %or3A_393 = vector.broadcast %or3A_392 : i32 to vector<16xi32>
        %or3A_394 = arith.ori %shift_right_arithmetic3A_391, %or3A_393 : vector<16xi32>
        %xor3A_395 = arith.xori %get3A_308, %or3A_394 : vector<16xi32>
        %shift_right_logical3A_396 = arith.constant 16 : i32
        %shift_right_logical3A_397 = vector.broadcast %shift_right_logical3A_396 : i32 to vector<16xi32>
        %shift_right_logical3A_398 = arith.shrui %xor3A_395, %shift_right_logical3A_397 : vector<16xi32>
        %and3A_399 = arith.constant 65520 : i32
        %and3A_400 = vector.broadcast %and3A_399 : i32 to vector<16xi32>
        %and3A_401 = arith.andi %shift_right_logical3A_398, %and3A_400 : vector<16xi32>
        %or3A_402 = arith.ori %and3A_401, %iota3A : vector<16xi32>
        %shift_right_arithmetic3A_403 = arith.constant 31 : i32
        %shift_right_arithmetic3A_404 = vector.broadcast %shift_right_arithmetic3A_403 : i32 to vector<16xi32>
        %shift_right_arithmetic3A_405 = arith.shrsi %get3A_316, %shift_right_arithmetic3A_404 : vector<16xi32>
        %or3A_406 = arith.constant -2147483648 : i32
        %or3A_407 = vector.broadcast %or3A_406 : i32 to vector<16xi32>
        %or3A_408 = arith.ori %shift_right_arithmetic3A_405, %or3A_407 : vector<16xi32>
        %xor3A_409 = arith.xori %get3A_316, %or3A_408 : vector<16xi32>
        %shift_right_logical3A_410 = arith.constant 16 : i32
        %shift_right_logical3A_411 = vector.broadcast %shift_right_logical3A_410 : i32 to vector<16xi32>
        %shift_right_logical3A_412 = arith.shrui %xor3A_409, %shift_right_logical3A_411 : vector<16xi32>
        %and3A_413 = arith.constant 65520 : i32
        %and3A_414 = vector.broadcast %and3A_413 : i32 to vector<16xi32>
        %and3A_415 = arith.andi %shift_right_logical3A_412, %and3A_414 : vector<16xi32>
        %or3A_416 = arith.ori %and3A_415, %iota3A : vector<16xi32>
        %shift_right_arithmetic3A_417 = arith.constant 31 : i32
        %shift_right_arithmetic3A_418 = vector.broadcast %shift_right_arithmetic3A_417 : i32 to vector<16xi32>
        %shift_right_arithmetic3A_419 = arith.shrsi %get3A_324, %shift_right_arithmetic3A_418 : vector<16xi32>
        %or3A_420 = arith.constant -2147483648 : i32
        %or3A_421 = vector.broadcast %or3A_420 : i32 to vector<16xi32>
        %or3A_422 = arith.ori %shift_right_arithmetic3A_419, %or3A_421 : vector<16xi32>
        %xor3A_423 = arith.xori %get3A_324, %or3A_422 : vector<16xi32>
        %shift_right_logical3A_424 = arith.constant 16 : i32
        %shift_right_logical3A_425 = vector.broadcast %shift_right_logical3A_424 : i32 to vector<16xi32>
        %shift_right_logical3A_426 = arith.shrui %xor3A_423, %shift_right_logical3A_425 : vector<16xi32>
        %and3A_427 = arith.constant 65520 : i32
        %and3A_428 = vector.broadcast %and3A_427 : i32 to vector<16xi32>
        %and3A_429 = arith.andi %shift_right_logical3A_426, %and3A_428 : vector<16xi32>
        %or3A_430 = arith.ori %and3A_429, %iota3A : vector<16xi32>
        %shift_right_arithmetic3A_431 = arith.constant 31 : i32
        %shift_right_arithmetic3A_432 = vector.broadcast %shift_right_arithmetic3A_431 : i32 to vector<16xi32>
        %shift_right_arithmetic3A_433 = arith.shrsi %get3A_332, %shift_right_arithmetic3A_432 : vector<16xi32>
        %or3A_434 = arith.constant -2147483648 : i32
        %or3A_435 = vector.broadcast %or3A_434 : i32 to vector<16xi32>
        %or3A_436 = arith.ori %shift_right_arithmetic3A_433, %or3A_435 : vector<16xi32>
        %xor3A_437 = arith.xori %get3A_332, %or3A_436 : vector<16xi32>
        %shift_right_logical3A_438 = arith.constant 16 : i32
        %shift_right_logical3A_439 = vector.broadcast %shift_right_logical3A_438 : i32 to vector<16xi32>
        %shift_right_logical3A_440 = arith.shrui %xor3A_437, %shift_right_logical3A_439 : vector<16xi32>
        %and3A_441 = arith.constant 65520 : i32
        %and3A_442 = vector.broadcast %and3A_441 : i32 to vector<16xi32>
        %and3A_443 = arith.andi %shift_right_logical3A_440, %and3A_442 : vector<16xi32>
        %or3A_444 = arith.ori %and3A_443, %iota3A : vector<16xi32>
        tpu.vector_store_idx %arg6[%or3A_346], %broadcast_in_dim3A_3 {add = true} : memref<65536xi32, #tpu.memory_space<vmem>>[vector<16xi32>], vector<16xi32>,
        tpu.vector_store_idx %arg6[%or3A_360], %broadcast_in_dim3A_3 {add = true} : memref<65536xi32, #tpu.memory_space<vmem>>[vector<16xi32>], vector<16xi32>,
        tpu.vector_store_idx %arg6[%or3A_374], %broadcast_in_dim3A_3 {add = true} : memref<65536xi32, #tpu.memory_space<vmem>>[vector<16xi32>], vector<16xi32>,
        tpu.vector_store_idx %arg6[%or3A_388], %broadcast_in_dim3A_3 {add = true} : memref<65536xi32, #tpu.memory_space<vmem>>[vector<16xi32>], vector<16xi32>,
        tpu.vector_store_idx %arg6[%or3A_402], %broadcast_in_dim3A_3 {add = true} : memref<65536xi32, #tpu.memory_space<vmem>>[vector<16xi32>], vector<16xi32>,
        tpu.vector_store_idx %arg6[%or3A_416], %broadcast_in_dim3A_3 {add = true} : memref<65536xi32, #tpu.memory_space<vmem>>[vector<16xi32>], vector<16xi32>,
        tpu.vector_store_idx %arg6[%or3A_430], %broadcast_in_dim3A_3 {add = true} : memref<65536xi32, #tpu.memory_space<vmem>>[vector<16xi32>], vector<16xi32>,
        tpu.vector_store_idx %arg6[%or3A_444], %broadcast_in_dim3A_3 {add = true} : memref<65536xi32, #tpu.memory_space<vmem>>[vector<16xi32>], vector<16xi32>,
        %scan3A_445 = arith.constant 0 : i32
        scf.yield %scan3A_445 : i32
      }
      %scan3A_62 = arith.constant 96 : i32
      %add3A_63 = arith.constant 2 : i32
      %add3A_64 = arith.addi %add3A_50, %add3A_63 : i32
      %mul3A_65 = arith.constant 12288 : i32
      %mul3A_66 = arith.muli %add3A_64, %mul3A_65 : i32
      %add3A_67 = arith.addi %mul3A_2, %mul3A_66 : i32
      %dma_start3A_68 = tpu.memref_slice %arg2[%add3A_67] : memref<38535168xi32, #tpu.memory_space<hbm>> -> memref<12288xi32, #tpu.memory_space<hbm>>
      %dma_start3A_69 = tpu.memref_slice %arg2[%add3A_67] : memref<38535168xi32, #tpu.memory_space<hbm>> -> memref<12288xi32, #tpu.memory_space<hbm>>
      tpu.enqueue_dma source(%dma_start3A_69 : memref<12288xi32, #tpu.memory_space<hbm>>) target(%arg4 : memref<12288xi32, #tpu.memory_space<vmem>>) target_semaphore(%arg7 : memref<!tpu.dma_semaphore, #tpu.memory_space<semaphore_mem>>)
      %mul3A_70 = arith.constant 2 : i32
      %mul3A_71 = arith.muli %scan3A_45, %mul3A_70 : i32
      %add3A_72 = arith.constant 1 : i32
      %add3A_73 = arith.addi %mul3A_71, %add3A_72 : i32
      %mul3A_74 = arith.constant 12288 : i32
      %mul3A_75 = arith.muli %add3A_73, %mul3A_74 : i32
      %add3A_76 = arith.addi %mul3A_2, %mul3A_75 : i32
      %dma_wait3A_77 = tpu.memref_slice %arg2[%add3A_76] : memref<38535168xi32, #tpu.memory_space<hbm>> -> memref<12288xi32, #tpu.memory_space<hbm>>
      %dma_wait3A_78 = tpu.memref_slice %arg2[%add3A_76] : memref<38535168xi32, #tpu.memory_space<hbm>> -> memref<12288xi32, #tpu.memory_space<hbm>>
      tpu.wait_dma2 semaphore(%arg8 : memref<!tpu.dma_semaphore, #tpu.memory_space<semaphore_mem>>) src(%dma_wait3A_78 : memref<12288xi32, #tpu.memory_space<hbm>>) dst(%arg5 : memref<12288xi32, #tpu.memory_space<vmem>>)
      %scan3A_79 = arith.constant 0 : i32
      %scan3A_80 = arith.constant 0 : i32
      %scan3A_81 = arith.constant 96 : i32
      %scan3A_82 = arith.addi %scan3A_80, %scan3A_81 : i32
      %scan3A_83 = arith.constant 2 : i32
      %scan3A_84 = scf.for %scan3A_94 = %scan3A_80 to %scan3A_82 step %scan3A_83 iter_args(%scan3A_95 = %scan3A_79) -> (i32)  : i32 {
        %mul3A_96 = arith.constant 8 : i32
        %mul3A_97 = arith.muli %scan3A_94, %mul3A_96 : i32
        %add3A_98 = arith.constant 0 : i32
        %add3A_99 = arith.addi %mul3A_97, %add3A_98 : i32
        %mul3A_100 = arith.constant 16 : i32
        %mul3A_101 = arith.muli %add3A_99, %mul3A_100 : i32
        %get3A = arith.index_cast %mul3A_101 : i32 to index
        %get3A_102 = tpu.vector_load %arg5[%get3A] {strides = array<i32>} : memref<12288xi32, #tpu.memory_space<vmem>>, vector<16xi32>,
        %mul3A_103 = arith.constant 8 : i32
        %mul3A_104 = arith.muli %scan3A_94, %mul3A_103 : i32
        %add3A_105 = arith.constant 1 : i32
        %add3A_106 = arith.addi %mul3A_104, %add3A_105 : i32
        %mul3A_107 = arith.constant 16 : i32
        %mul3A_108 = arith.muli %add3A_106, %mul3A_107 : i32
        %get3A_109 = arith.index_cast %mul3A_108 : i32 to index
        %get3A_110 = tpu.vector_load %arg5[%get3A_109] {strides = array<i32>} : memref<12288xi32, #tpu.memory_space<vmem>>, vector<16xi32>,
        %mul3A_111 = arith.constant 8 : i32
        %mul3A_112 = arith.muli %scan3A_94, %mul3A_111 : i32
        %add3A_113 = arith.constant 2 : i32
        %add3A_114 = arith.addi %mul3A_112, %add3A_113 : i32
        %mul3A_115 = arith.constant 16 : i32
        %mul3A_116 = arith.muli %add3A_114, %mul3A_115 : i32
        %get3A_117 = arith.index_cast %mul3A_116 : i32 to index
        %get3A_118 = tpu.vector_load %arg5[%get3A_117] {strides = array<i32>} : memref<12288xi32, #tpu.memory_space<vmem>>, vector<16xi32>,
        %mul3A_119 = arith.constant 8 : i32
        %mul3A_120 = arith.muli %scan3A_94, %mul3A_119 : i32
        %add3A_121 = arith.constant 3 : i32
        %add3A_122 = arith.addi %mul3A_120, %add3A_121 : i32
        %mul3A_123 = arith.constant 16 : i32
        %mul3A_124 = arith.muli %add3A_122, %mul3A_123 : i32
        %get3A_125 = arith.index_cast %mul3A_124 : i32 to index
        %get3A_126 = tpu.vector_load %arg5[%get3A_125] {strides = array<i32>} : memref<12288xi32, #tpu.memory_space<vmem>>, vector<16xi32>,
        %mul3A_127 = arith.constant 8 : i32
        %mul3A_128 = arith.muli %scan3A_94, %mul3A_127 : i32
        %add3A_129 = arith.constant 4 : i32
        %add3A_130 = arith.addi %mul3A_128, %add3A_129 : i32
        %mul3A_131 = arith.constant 16 : i32
        %mul3A_132 = arith.muli %add3A_130, %mul3A_131 : i32
        %get3A_133 = arith.index_cast %mul3A_132 : i32 to index
        %get3A_134 = tpu.vector_load %arg5[%get3A_133] {strides = array<i32>} : memref<12288xi32, #tpu.memory_space<vmem>>, vector<16xi32>,
        %mul3A_135 = arith.constant 8 : i32
        %mul3A_136 = arith.muli %scan3A_94, %mul3A_135 : i32
        %add3A_137 = arith.constant 5 : i32
        %add3A_138 = arith.addi %mul3A_136, %add3A_137 : i32
        %mul3A_139 = arith.constant 16 : i32
        %mul3A_140 = arith.muli %add3A_138, %mul3A_139 : i32
        %get3A_141 = arith.index_cast %mul3A_140 : i32 to index
        %get3A_142 = tpu.vector_load %arg5[%get3A_141] {strides = array<i32>} : memref<12288xi32, #tpu.memory_space<vmem>>, vector<16xi32>,
        %mul3A_143 = arith.constant 8 : i32
        %mul3A_144 = arith.muli %scan3A_94, %mul3A_143 : i32
        %add3A_145 = arith.constant 6 : i32
        %add3A_146 = arith.addi %mul3A_144, %add3A_145 : i32
        %mul3A_147 = arith.constant 16 : i32
        %mul3A_148 = arith.muli %add3A_146, %mul3A_147 : i32
        %get3A_149 = arith.index_cast %mul3A_148 : i32 to index
        %get3A_150 = tpu.vector_load %arg5[%get3A_149] {strides = array<i32>} : memref<12288xi32, #tpu.memory_space<vmem>>, vector<16xi32>,
        %mul3A_151 = arith.constant 8 : i32
        %mul3A_152 = arith.muli %scan3A_94, %mul3A_151 : i32
        %add3A_153 = arith.constant 7 : i32
        %add3A_154 = arith.addi %mul3A_152, %add3A_153 : i32
        %mul3A_155 = arith.constant 16 : i32
        %mul3A_156 = arith.muli %add3A_154, %mul3A_155 : i32
        %get3A_157 = arith.index_cast %mul3A_156 : i32 to index
        %get3A_158 = tpu.vector_load %arg5[%get3A_157] {strides = array<i32>} : memref<12288xi32, #tpu.memory_space<vmem>>, vector<16xi32>,
        %shift_right_arithmetic3A = arith.constant 31 : i32
        %shift_right_arithmetic3A_159 = vector.broadcast %shift_right_arithmetic3A : i32 to vector<16xi32>
        %shift_right_arithmetic3A_160 = arith.shrsi %get3A_102, %shift_right_arithmetic3A_159 : vector<16xi32>
        %or3A = arith.constant -2147483648 : i32
        %or3A_161 = vector.broadcast %or3A : i32 to vector<16xi32>
        %or3A_162 = arith.ori %shift_right_arithmetic3A_160, %or3A_161 : vector<16xi32>
        %xor3A = arith.xori %get3A_102, %or3A_162 : vector<16xi32>
        %shift_right_logical3A = arith.constant 16 : i32
        %shift_right_logical3A_163 = vector.broadcast %shift_right_logical3A : i32 to vector<16xi32>
        %shift_right_logical3A_164 = arith.shrui %xor3A, %shift_right_logical3A_163 : vector<16xi32>
        %and3A = arith.constant 65520 : i32
        %and3A_165 = vector.broadcast %and3A : i32 to vector<16xi32>
        %and3A_166 = arith.andi %shift_right_logical3A_164, %and3A_165 : vector<16xi32>
        %or3A_167 = arith.ori %and3A_166, %iota3A : vector<16xi32>
        %shift_right_arithmetic3A_168 = arith.constant 31 : i32
        %shift_right_arithmetic3A_169 = vector.broadcast %shift_right_arithmetic3A_168 : i32 to vector<16xi32>
        %shift_right_arithmetic3A_170 = arith.shrsi %get3A_110, %shift_right_arithmetic3A_169 : vector<16xi32>
        %or3A_171 = arith.constant -2147483648 : i32
        %or3A_172 = vector.broadcast %or3A_171 : i32 to vector<16xi32>
        %or3A_173 = arith.ori %shift_right_arithmetic3A_170, %or3A_172 : vector<16xi32>
        %xor3A_174 = arith.xori %get3A_110, %or3A_173 : vector<16xi32>
        %shift_right_logical3A_175 = arith.constant 16 : i32
        %shift_right_logical3A_176 = vector.broadcast %shift_right_logical3A_175 : i32 to vector<16xi32>
        %shift_right_logical3A_177 = arith.shrui %xor3A_174, %shift_right_logical3A_176 : vector<16xi32>
        %and3A_178 = arith.constant 65520 : i32
        %and3A_179 = vector.broadcast %and3A_178 : i32 to vector<16xi32>
        %and3A_180 = arith.andi %shift_right_logical3A_177, %and3A_179 : vector<16xi32>
        %or3A_181 = arith.ori %and3A_180, %iota3A : vector<16xi32>
        %shift_right_arithmetic3A_182 = arith.constant 31 : i32
        %shift_right_arithmetic3A_183 = vector.broadcast %shift_right_arithmetic3A_182 : i32 to vector<16xi32>
        %shift_right_arithmetic3A_184 = arith.shrsi %get3A_118, %shift_right_arithmetic3A_183 : vector<16xi32>
        %or3A_185 = arith.constant -2147483648 : i32
        %or3A_186 = vector.broadcast %or3A_185 : i32 to vector<16xi32>
        %or3A_187 = arith.ori %shift_right_arithmetic3A_184, %or3A_186 : vector<16xi32>
        %xor3A_188 = arith.xori %get3A_118, %or3A_187 : vector<16xi32>
        %shift_right_logical3A_189 = arith.constant 16 : i32
        %shift_right_logical3A_190 = vector.broadcast %shift_right_logical3A_189 : i32 to vector<16xi32>
        %shift_right_logical3A_191 = arith.shrui %xor3A_188, %shift_right_logical3A_190 : vector<16xi32>
        %and3A_192 = arith.constant 65520 : i32
        %and3A_193 = vector.broadcast %and3A_192 : i32 to vector<16xi32>
        %and3A_194 = arith.andi %shift_right_logical3A_191, %and3A_193 : vector<16xi32>
        %or3A_195 = arith.ori %and3A_194, %iota3A : vector<16xi32>
        %shift_right_arithmetic3A_196 = arith.constant 31 : i32
        %shift_right_arithmetic3A_197 = vector.broadcast %shift_right_arithmetic3A_196 : i32 to vector<16xi32>
        %shift_right_arithmetic3A_198 = arith.shrsi %get3A_126, %shift_right_arithmetic3A_197 : vector<16xi32>
        %or3A_199 = arith.constant -2147483648 : i32
        %or3A_200 = vector.broadcast %or3A_199 : i32 to vector<16xi32>
        %or3A_201 = arith.ori %shift_right_arithmetic3A_198, %or3A_200 : vector<16xi32>
        %xor3A_202 = arith.xori %get3A_126, %or3A_201 : vector<16xi32>
        %shift_right_logical3A_203 = arith.constant 16 : i32
        %shift_right_logical3A_204 = vector.broadcast %shift_right_logical3A_203 : i32 to vector<16xi32>
        %shift_right_logical3A_205 = arith.shrui %xor3A_202, %shift_right_logical3A_204 : vector<16xi32>
        %and3A_206 = arith.constant 65520 : i32
        %and3A_207 = vector.broadcast %and3A_206 : i32 to vector<16xi32>
        %and3A_208 = arith.andi %shift_right_logical3A_205, %and3A_207 : vector<16xi32>
        %or3A_209 = arith.ori %and3A_208, %iota3A : vector<16xi32>
        %shift_right_arithmetic3A_210 = arith.constant 31 : i32
        %shift_right_arithmetic3A_211 = vector.broadcast %shift_right_arithmetic3A_210 : i32 to vector<16xi32>
        %shift_right_arithmetic3A_212 = arith.shrsi %get3A_134, %shift_right_arithmetic3A_211 : vector<16xi32>
        %or3A_213 = arith.constant -2147483648 : i32
        %or3A_214 = vector.broadcast %or3A_213 : i32 to vector<16xi32>
        %or3A_215 = arith.ori %shift_right_arithmetic3A_212, %or3A_214 : vector<16xi32>
        %xor3A_216 = arith.xori %get3A_134, %or3A_215 : vector<16xi32>
        %shift_right_logical3A_217 = arith.constant 16 : i32
        %shift_right_logical3A_218 = vector.broadcast %shift_right_logical3A_217 : i32 to vector<16xi32>
        %shift_right_logical3A_219 = arith.shrui %xor3A_216, %shift_right_logical3A_218 : vector<16xi32>
        %and3A_220 = arith.constant 65520 : i32
        %and3A_221 = vector.broadcast %and3A_220 : i32 to vector<16xi32>
        %and3A_222 = arith.andi %shift_right_logical3A_219, %and3A_221 : vector<16xi32>
        %or3A_223 = arith.ori %and3A_222, %iota3A : vector<16xi32>
        %shift_right_arithmetic3A_224 = arith.constant 31 : i32
        %shift_right_arithmetic3A_225 = vector.broadcast %shift_right_arithmetic3A_224 : i32 to vector<16xi32>
        %shift_right_arithmetic3A_226 = arith.shrsi %get3A_142, %shift_right_arithmetic3A_225 : vector<16xi32>
        %or3A_227 = arith.constant -2147483648 : i32
        %or3A_228 = vector.broadcast %or3A_227 : i32 to vector<16xi32>
        %or3A_229 = arith.ori %shift_right_arithmetic3A_226, %or3A_228 : vector<16xi32>
        %xor3A_230 = arith.xori %get3A_142, %or3A_229 : vector<16xi32>
        %shift_right_logical3A_231 = arith.constant 16 : i32
        %shift_right_logical3A_232 = vector.broadcast %shift_right_logical3A_231 : i32 to vector<16xi32>
        %shift_right_logical3A_233 = arith.shrui %xor3A_230, %shift_right_logical3A_232 : vector<16xi32>
        %and3A_234 = arith.constant 65520 : i32
        %and3A_235 = vector.broadcast %and3A_234 : i32 to vector<16xi32>
        %and3A_236 = arith.andi %shift_right_logical3A_233, %and3A_235 : vector<16xi32>
        %or3A_237 = arith.ori %and3A_236, %iota3A : vector<16xi32>
        %shift_right_arithmetic3A_238 = arith.constant 31 : i32
        %shift_right_arithmetic3A_239 = vector.broadcast %shift_right_arithmetic3A_238 : i32 to vector<16xi32>
        %shift_right_arithmetic3A_240 = arith.shrsi %get3A_150, %shift_right_arithmetic3A_239 : vector<16xi32>
        %or3A_241 = arith.constant -2147483648 : i32
        %or3A_242 = vector.broadcast %or3A_241 : i32 to vector<16xi32>
        %or3A_243 = arith.ori %shift_right_arithmetic3A_240, %or3A_242 : vector<16xi32>
        %xor3A_244 = arith.xori %get3A_150, %or3A_243 : vector<16xi32>
        %shift_right_logical3A_245 = arith.constant 16 : i32
        %shift_right_logical3A_246 = vector.broadcast %shift_right_logical3A_245 : i32 to vector<16xi32>
        %shift_right_logical3A_247 = arith.shrui %xor3A_244, %shift_right_logical3A_246 : vector<16xi32>
        %and3A_248 = arith.constant 65520 : i32
        %and3A_249 = vector.broadcast %and3A_248 : i32 to vector<16xi32>
        %and3A_250 = arith.andi %shift_right_logical3A_247, %and3A_249 : vector<16xi32>
        %or3A_251 = arith.ori %and3A_250, %iota3A : vector<16xi32>
        %shift_right_arithmetic3A_252 = arith.constant 31 : i32
        %shift_right_arithmetic3A_253 = vector.broadcast %shift_right_arithmetic3A_252 : i32 to vector<16xi32>
        %shift_right_arithmetic3A_254 = arith.shrsi %get3A_158, %shift_right_arithmetic3A_253 : vector<16xi32>
        %or3A_255 = arith.constant -2147483648 : i32
        %or3A_256 = vector.broadcast %or3A_255 : i32 to vector<16xi32>
        %or3A_257 = arith.ori %shift_right_arithmetic3A_254, %or3A_256 : vector<16xi32>
        %xor3A_258 = arith.xori %get3A_158, %or3A_257 : vector<16xi32>
        %shift_right_logical3A_259 = arith.constant 16 : i32
        %shift_right_logical3A_260 = vector.broadcast %shift_right_logical3A_259 : i32 to vector<16xi32>
        %shift_right_logical3A_261 = arith.shrui %xor3A_258, %shift_right_logical3A_260 : vector<16xi32>
        %and3A_262 = arith.constant 65520 : i32
        %and3A_263 = vector.broadcast %and3A_262 : i32 to vector<16xi32>
        %and3A_264 = arith.andi %shift_right_logical3A_261, %and3A_263 : vector<16xi32>
        %or3A_265 = arith.ori %and3A_264, %iota3A : vector<16xi32>
        tpu.vector_store_idx %arg6[%or3A_167], %broadcast_in_dim3A_3 {add = true} : memref<65536xi32, #tpu.memory_space<vmem>>[vector<16xi32>], vector<16xi32>,
        tpu.vector_store_idx %arg6[%or3A_181], %broadcast_in_dim3A_3 {add = true} : memref<65536xi32, #tpu.memory_space<vmem>>[vector<16xi32>], vector<16xi32>,
        tpu.vector_store_idx %arg6[%or3A_195], %broadcast_in_dim3A_3 {add = true} : memref<65536xi32, #tpu.memory_space<vmem>>[vector<16xi32>], vector<16xi32>,
        tpu.vector_store_idx %arg6[%or3A_209], %broadcast_in_dim3A_3 {add = true} : memref<65536xi32, #tpu.memory_space<vmem>>[vector<16xi32>], vector<16xi32>,
        tpu.vector_store_idx %arg6[%or3A_223], %broadcast_in_dim3A_3 {add = true} : memref<65536xi32, #tpu.memory_space<vmem>>[vector<16xi32>], vector<16xi32>,
        tpu.vector_store_idx %arg6[%or3A_237], %broadcast_in_dim3A_3 {add = true} : memref<65536xi32, #tpu.memory_space<vmem>>[vector<16xi32>], vector<16xi32>,
        tpu.vector_store_idx %arg6[%or3A_251], %broadcast_in_dim3A_3 {add = true} : memref<65536xi32, #tpu.memory_space<vmem>>[vector<16xi32>], vector<16xi32>,
        tpu.vector_store_idx %arg6[%or3A_265], %broadcast_in_dim3A_3 {add = true} : memref<65536xi32, #tpu.memory_space<vmem>>[vector<16xi32>], vector<16xi32>,
        %scan3A_266 = arith.constant 0 : i32
        %scan3A_267 = arith.constant 1 : i32
        %scan3A_268 = arith.addi %scan3A_94, %scan3A_267 : i32
        %mul3A_269 = arith.constant 8 : i32
        %mul3A_270 = arith.muli %scan3A_268, %mul3A_269 : i32
        %add3A_271 = arith.constant 0 : i32
        %add3A_272 = arith.addi %mul3A_270, %add3A_271 : i32
        %mul3A_273 = arith.constant 16 : i32
        %mul3A_274 = arith.muli %add3A_272, %mul3A_273 : i32
        %get3A_275 = arith.index_cast %mul3A_274 : i32 to index
        %get3A_276 = tpu.vector_load %arg5[%get3A_275] {strides = array<i32>} : memref<12288xi32, #tpu.memory_space<vmem>>, vector<16xi32>,
        %mul3A_277 = arith.constant 8 : i32
        %mul3A_278 = arith.muli %scan3A_268, %mul3A_277 : i32
        %add3A_279 = arith.constant 1 : i32
        %add3A_280 = arith.addi %mul3A_278, %add3A_279 : i32
        %mul3A_281 = arith.constant 16 : i32
        %mul3A_282 = arith.muli %add3A_280, %mul3A_281 : i32
        %get3A_283 = arith.index_cast %mul3A_282 : i32 to index
        %get3A_284 = tpu.vector_load %arg5[%get3A_283] {strides = array<i32>} : memref<12288xi32, #tpu.memory_space<vmem>>, vector<16xi32>,
        %mul3A_285 = arith.constant 8 : i32
        %mul3A_286 = arith.muli %scan3A_268, %mul3A_285 : i32
        %add3A_287 = arith.constant 2 : i32
        %add3A_288 = arith.addi %mul3A_286, %add3A_287 : i32
        %mul3A_289 = arith.constant 16 : i32
        %mul3A_290 = arith.muli %add3A_288, %mul3A_289 : i32
        %get3A_291 = arith.index_cast %mul3A_290 : i32 to index
        %get3A_292 = tpu.vector_load %arg5[%get3A_291] {strides = array<i32>} : memref<12288xi32, #tpu.memory_space<vmem>>, vector<16xi32>,
        %mul3A_293 = arith.constant 8 : i32
        %mul3A_294 = arith.muli %scan3A_268, %mul3A_293 : i32
        %add3A_295 = arith.constant 3 : i32
        %add3A_296 = arith.addi %mul3A_294, %add3A_295 : i32
        %mul3A_297 = arith.constant 16 : i32
        %mul3A_298 = arith.muli %add3A_296, %mul3A_297 : i32
        %get3A_299 = arith.index_cast %mul3A_298 : i32 to index
        %get3A_300 = tpu.vector_load %arg5[%get3A_299] {strides = array<i32>} : memref<12288xi32, #tpu.memory_space<vmem>>, vector<16xi32>,
        %mul3A_301 = arith.constant 8 : i32
        %mul3A_302 = arith.muli %scan3A_268, %mul3A_301 : i32
        %add3A_303 = arith.constant 4 : i32
        %add3A_304 = arith.addi %mul3A_302, %add3A_303 : i32
        %mul3A_305 = arith.constant 16 : i32
        %mul3A_306 = arith.muli %add3A_304, %mul3A_305 : i32
        %get3A_307 = arith.index_cast %mul3A_306 : i32 to index
        %get3A_308 = tpu.vector_load %arg5[%get3A_307] {strides = array<i32>} : memref<12288xi32, #tpu.memory_space<vmem>>, vector<16xi32>,
        %mul3A_309 = arith.constant 8 : i32
        %mul3A_310 = arith.muli %scan3A_268, %mul3A_309 : i32
        %add3A_311 = arith.constant 5 : i32
        %add3A_312 = arith.addi %mul3A_310, %add3A_311 : i32
        %mul3A_313 = arith.constant 16 : i32
        %mul3A_314 = arith.muli %add3A_312, %mul3A_313 : i32
        %get3A_315 = arith.index_cast %mul3A_314 : i32 to index
        %get3A_316 = tpu.vector_load %arg5[%get3A_315] {strides = array<i32>} : memref<12288xi32, #tpu.memory_space<vmem>>, vector<16xi32>,
        %mul3A_317 = arith.constant 8 : i32
        %mul3A_318 = arith.muli %scan3A_268, %mul3A_317 : i32
        %add3A_319 = arith.constant 6 : i32
        %add3A_320 = arith.addi %mul3A_318, %add3A_319 : i32
        %mul3A_321 = arith.constant 16 : i32
        %mul3A_322 = arith.muli %add3A_320, %mul3A_321 : i32
        %get3A_323 = arith.index_cast %mul3A_322 : i32 to index
        %get3A_324 = tpu.vector_load %arg5[%get3A_323] {strides = array<i32>} : memref<12288xi32, #tpu.memory_space<vmem>>, vector<16xi32>,
        %mul3A_325 = arith.constant 8 : i32
        %mul3A_326 = arith.muli %scan3A_268, %mul3A_325 : i32
        %add3A_327 = arith.constant 7 : i32
        %add3A_328 = arith.addi %mul3A_326, %add3A_327 : i32
        %mul3A_329 = arith.constant 16 : i32
        %mul3A_330 = arith.muli %add3A_328, %mul3A_329 : i32
        %get3A_331 = arith.index_cast %mul3A_330 : i32 to index
        %get3A_332 = tpu.vector_load %arg5[%get3A_331] {strides = array<i32>} : memref<12288xi32, #tpu.memory_space<vmem>>, vector<16xi32>,
        %shift_right_arithmetic3A_333 = arith.constant 31 : i32
        %shift_right_arithmetic3A_334 = vector.broadcast %shift_right_arithmetic3A_333 : i32 to vector<16xi32>
        %shift_right_arithmetic3A_335 = arith.shrsi %get3A_276, %shift_right_arithmetic3A_334 : vector<16xi32>
        %or3A_336 = arith.constant -2147483648 : i32
        %or3A_337 = vector.broadcast %or3A_336 : i32 to vector<16xi32>
        %or3A_338 = arith.ori %shift_right_arithmetic3A_335, %or3A_337 : vector<16xi32>
        %xor3A_339 = arith.xori %get3A_276, %or3A_338 : vector<16xi32>
        %shift_right_logical3A_340 = arith.constant 16 : i32
        %shift_right_logical3A_341 = vector.broadcast %shift_right_logical3A_340 : i32 to vector<16xi32>
        %shift_right_logical3A_342 = arith.shrui %xor3A_339, %shift_right_logical3A_341 : vector<16xi32>
        %and3A_343 = arith.constant 65520 : i32
        %and3A_344 = vector.broadcast %and3A_343 : i32 to vector<16xi32>
        %and3A_345 = arith.andi %shift_right_logical3A_342, %and3A_344 : vector<16xi32>
        %or3A_346 = arith.ori %and3A_345, %iota3A : vector<16xi32>
        %shift_right_arithmetic3A_347 = arith.constant 31 : i32
        %shift_right_arithmetic3A_348 = vector.broadcast %shift_right_arithmetic3A_347 : i32 to vector<16xi32>
        %shift_right_arithmetic3A_349 = arith.shrsi %get3A_284, %shift_right_arithmetic3A_348 : vector<16xi32>
        %or3A_350 = arith.constant -2147483648 : i32
        %or3A_351 = vector.broadcast %or3A_350 : i32 to vector<16xi32>
        %or3A_352 = arith.ori %shift_right_arithmetic3A_349, %or3A_351 : vector<16xi32>
        %xor3A_353 = arith.xori %get3A_284, %or3A_352 : vector<16xi32>
        %shift_right_logical3A_354 = arith.constant 16 : i32
        %shift_right_logical3A_355 = vector.broadcast %shift_right_logical3A_354 : i32 to vector<16xi32>
        %shift_right_logical3A_356 = arith.shrui %xor3A_353, %shift_right_logical3A_355 : vector<16xi32>
        %and3A_357 = arith.constant 65520 : i32
        %and3A_358 = vector.broadcast %and3A_357 : i32 to vector<16xi32>
        %and3A_359 = arith.andi %shift_right_logical3A_356, %and3A_358 : vector<16xi32>
        %or3A_360 = arith.ori %and3A_359, %iota3A : vector<16xi32>
        %shift_right_arithmetic3A_361 = arith.constant 31 : i32
        %shift_right_arithmetic3A_362 = vector.broadcast %shift_right_arithmetic3A_361 : i32 to vector<16xi32>
        %shift_right_arithmetic3A_363 = arith.shrsi %get3A_292, %shift_right_arithmetic3A_362 : vector<16xi32>
        %or3A_364 = arith.constant -2147483648 : i32
        %or3A_365 = vector.broadcast %or3A_364 : i32 to vector<16xi32>
        %or3A_366 = arith.ori %shift_right_arithmetic3A_363, %or3A_365 : vector<16xi32>
        %xor3A_367 = arith.xori %get3A_292, %or3A_366 : vector<16xi32>
        %shift_right_logical3A_368 = arith.constant 16 : i32
        %shift_right_logical3A_369 = vector.broadcast %shift_right_logical3A_368 : i32 to vector<16xi32>
        %shift_right_logical3A_370 = arith.shrui %xor3A_367, %shift_right_logical3A_369 : vector<16xi32>
        %and3A_371 = arith.constant 65520 : i32
        %and3A_372 = vector.broadcast %and3A_371 : i32 to vector<16xi32>
        %and3A_373 = arith.andi %shift_right_logical3A_370, %and3A_372 : vector<16xi32>
        %or3A_374 = arith.ori %and3A_373, %iota3A : vector<16xi32>
        %shift_right_arithmetic3A_375 = arith.constant 31 : i32
        %shift_right_arithmetic3A_376 = vector.broadcast %shift_right_arithmetic3A_375 : i32 to vector<16xi32>
        %shift_right_arithmetic3A_377 = arith.shrsi %get3A_300, %shift_right_arithmetic3A_376 : vector<16xi32>
        %or3A_378 = arith.constant -2147483648 : i32
        %or3A_379 = vector.broadcast %or3A_378 : i32 to vector<16xi32>
        %or3A_380 = arith.ori %shift_right_arithmetic3A_377, %or3A_379 : vector<16xi32>
        %xor3A_381 = arith.xori %get3A_300, %or3A_380 : vector<16xi32>
        %shift_right_logical3A_382 = arith.constant 16 : i32
        %shift_right_logical3A_383 = vector.broadcast %shift_right_logical3A_382 : i32 to vector<16xi32>
        %shift_right_logical3A_384 = arith.shrui %xor3A_381, %shift_right_logical3A_383 : vector<16xi32>
        %and3A_385 = arith.constant 65520 : i32
        %and3A_386 = vector.broadcast %and3A_385 : i32 to vector<16xi32>
        %and3A_387 = arith.andi %shift_right_logical3A_384, %and3A_386 : vector<16xi32>
        %or3A_388 = arith.ori %and3A_387, %iota3A : vector<16xi32>
        %shift_right_arithmetic3A_389 = arith.constant 31 : i32
        %shift_right_arithmetic3A_390 = vector.broadcast %shift_right_arithmetic3A_389 : i32 to vector<16xi32>
        %shift_right_arithmetic3A_391 = arith.shrsi %get3A_308, %shift_right_arithmetic3A_390 : vector<16xi32>
        %or3A_392 = arith.constant -2147483648 : i32
        %or3A_393 = vector.broadcast %or3A_392 : i32 to vector<16xi32>
        %or3A_394 = arith.ori %shift_right_arithmetic3A_391, %or3A_393 : vector<16xi32>
        %xor3A_395 = arith.xori %get3A_308, %or3A_394 : vector<16xi32>
        %shift_right_logical3A_396 = arith.constant 16 : i32
        %shift_right_logical3A_397 = vector.broadcast %shift_right_logical3A_396 : i32 to vector<16xi32>
        %shift_right_logical3A_398 = arith.shrui %xor3A_395, %shift_right_logical3A_397 : vector<16xi32>
        %and3A_399 = arith.constant 65520 : i32
        %and3A_400 = vector.broadcast %and3A_399 : i32 to vector<16xi32>
        %and3A_401 = arith.andi %shift_right_logical3A_398, %and3A_400 : vector<16xi32>
        %or3A_402 = arith.ori %and3A_401, %iota3A : vector<16xi32>
        %shift_right_arithmetic3A_403 = arith.constant 31 : i32
        %shift_right_arithmetic3A_404 = vector.broadcast %shift_right_arithmetic3A_403 : i32 to vector<16xi32>
        %shift_right_arithmetic3A_405 = arith.shrsi %get3A_316, %shift_right_arithmetic3A_404 : vector<16xi32>
        %or3A_406 = arith.constant -2147483648 : i32
        %or3A_407 = vector.broadcast %or3A_406 : i32 to vector<16xi32>
        %or3A_408 = arith.ori %shift_right_arithmetic3A_405, %or3A_407 : vector<16xi32>
        %xor3A_409 = arith.xori %get3A_316, %or3A_408 : vector<16xi32>
        %shift_right_logical3A_410 = arith.constant 16 : i32
        %shift_right_logical3A_411 = vector.broadcast %shift_right_logical3A_410 : i32 to vector<16xi32>
        %shift_right_logical3A_412 = arith.shrui %xor3A_409, %shift_right_logical3A_411 : vector<16xi32>
        %and3A_413 = arith.constant 65520 : i32
        %and3A_414 = vector.broadcast %and3A_413 : i32 to vector<16xi32>
        %and3A_415 = arith.andi %shift_right_logical3A_412, %and3A_414 : vector<16xi32>
        %or3A_416 = arith.ori %and3A_415, %iota3A : vector<16xi32>
        %shift_right_arithmetic3A_417 = arith.constant 31 : i32
        %shift_right_arithmetic3A_418 = vector.broadcast %shift_right_arithmetic3A_417 : i32 to vector<16xi32>
        %shift_right_arithmetic3A_419 = arith.shrsi %get3A_324, %shift_right_arithmetic3A_418 : vector<16xi32>
        %or3A_420 = arith.constant -2147483648 : i32
        %or3A_421 = vector.broadcast %or3A_420 : i32 to vector<16xi32>
        %or3A_422 = arith.ori %shift_right_arithmetic3A_419, %or3A_421 : vector<16xi32>
        %xor3A_423 = arith.xori %get3A_324, %or3A_422 : vector<16xi32>
        %shift_right_logical3A_424 = arith.constant 16 : i32
        %shift_right_logical3A_425 = vector.broadcast %shift_right_logical3A_424 : i32 to vector<16xi32>
        %shift_right_logical3A_426 = arith.shrui %xor3A_423, %shift_right_logical3A_425 : vector<16xi32>
        %and3A_427 = arith.constant 65520 : i32
        %and3A_428 = vector.broadcast %and3A_427 : i32 to vector<16xi32>
        %and3A_429 = arith.andi %shift_right_logical3A_426, %and3A_428 : vector<16xi32>
        %or3A_430 = arith.ori %and3A_429, %iota3A : vector<16xi32>
        %shift_right_arithmetic3A_431 = arith.constant 31 : i32
        %shift_right_arithmetic3A_432 = vector.broadcast %shift_right_arithmetic3A_431 : i32 to vector<16xi32>
        %shift_right_arithmetic3A_433 = arith.shrsi %get3A_332, %shift_right_arithmetic3A_432 : vector<16xi32>
        %or3A_434 = arith.constant -2147483648 : i32
        %or3A_435 = vector.broadcast %or3A_434 : i32 to vector<16xi32>
        %or3A_436 = arith.ori %shift_right_arithmetic3A_433, %or3A_435 : vector<16xi32>
        %xor3A_437 = arith.xori %get3A_332, %or3A_436 : vector<16xi32>
        %shift_right_logical3A_438 = arith.constant 16 : i32
        %shift_right_logical3A_439 = vector.broadcast %shift_right_logical3A_438 : i32 to vector<16xi32>
        %shift_right_logical3A_440 = arith.shrui %xor3A_437, %shift_right_logical3A_439 : vector<16xi32>
        %and3A_441 = arith.constant 65520 : i32
        %and3A_442 = vector.broadcast %and3A_441 : i32 to vector<16xi32>
        %and3A_443 = arith.andi %shift_right_logical3A_440, %and3A_442 : vector<16xi32>
        %or3A_444 = arith.ori %and3A_443, %iota3A : vector<16xi32>
        tpu.vector_store_idx %arg6[%or3A_346], %broadcast_in_dim3A_3 {add = true} : memref<65536xi32, #tpu.memory_space<vmem>>[vector<16xi32>], vector<16xi32>,
        tpu.vector_store_idx %arg6[%or3A_360], %broadcast_in_dim3A_3 {add = true} : memref<65536xi32, #tpu.memory_space<vmem>>[vector<16xi32>], vector<16xi32>,
        tpu.vector_store_idx %arg6[%or3A_374], %broadcast_in_dim3A_3 {add = true} : memref<65536xi32, #tpu.memory_space<vmem>>[vector<16xi32>], vector<16xi32>,
        tpu.vector_store_idx %arg6[%or3A_388], %broadcast_in_dim3A_3 {add = true} : memref<65536xi32, #tpu.memory_space<vmem>>[vector<16xi32>], vector<16xi32>,
        tpu.vector_store_idx %arg6[%or3A_402], %broadcast_in_dim3A_3 {add = true} : memref<65536xi32, #tpu.memory_space<vmem>>[vector<16xi32>], vector<16xi32>,
        tpu.vector_store_idx %arg6[%or3A_416], %broadcast_in_dim3A_3 {add = true} : memref<65536xi32, #tpu.memory_space<vmem>>[vector<16xi32>], vector<16xi32>,
        tpu.vector_store_idx %arg6[%or3A_430], %broadcast_in_dim3A_3 {add = true} : memref<65536xi32, #tpu.memory_space<vmem>>[vector<16xi32>], vector<16xi32>,
        tpu.vector_store_idx %arg6[%or3A_444], %broadcast_in_dim3A_3 {add = true} : memref<65536xi32, #tpu.memory_space<vmem>>[vector<16xi32>], vector<16xi32>,
        %scan3A_445 = arith.constant 0 : i32
        scf.yield %scan3A_445 : i32
      }
      %scan3A_85 = arith.constant 96 : i32
      %add3A_86 = arith.constant 2 : i32
      %add3A_87 = arith.addi %add3A_73, %add3A_86 : i32
      %mul3A_88 = arith.constant 12288 : i32
      %mul3A_89 = arith.muli %add3A_87, %mul3A_88 : i32
      %add3A_90 = arith.addi %mul3A_2, %mul3A_89 : i32
      %dma_start3A_91 = tpu.memref_slice %arg2[%add3A_90] : memref<38535168xi32, #tpu.memory_space<hbm>> -> memref<12288xi32, #tpu.memory_space<hbm>>
      %dma_start3A_92 = tpu.memref_slice %arg2[%add3A_90] : memref<38535168xi32, #tpu.memory_space<hbm>> -> memref<12288xi32, #tpu.memory_space<hbm>>
      tpu.enqueue_dma source(%dma_start3A_92 : memref<12288xi32, #tpu.memory_space<hbm>>) target(%arg5 : memref<12288xi32, #tpu.memory_space<vmem>>) target_semaphore(%arg8 : memref<!tpu.dma_semaphore, #tpu.memory_space<semaphore_mem>>)
      %scan3A_93 = arith.constant 0 : i32
      scf.yield %scan3A_93 : i32
    }
    %scan3A_23 = arith.constant 48 : i32
    %add3A_24 = arith.constant 1179648 : i32
    %add3A_25 = arith.addi %mul3A_2, %add3A_24 : i32
    %dma_wait3A = tpu.memref_slice %arg2[%add3A_25] : memref<38535168xi32, #tpu.memory_space<hbm>> -> memref<12288xi32, #tpu.memory_space<hbm>>
    %dma_wait3A_26 = tpu.memref_slice %arg2[%add3A_25] : memref<38535168xi32, #tpu.memory_space<hbm>> -> memref<12288xi32, #tpu.memory_space<hbm>>
    tpu.wait_dma2 semaphore(%arg7 : memref<!tpu.dma_semaphore, #tpu.memory_space<semaphore_mem>>) src(%dma_wait3A_26 : memref<12288xi32, #tpu.memory_space<hbm>>) dst(%arg4 : memref<12288xi32, #tpu.memory_space<vmem>>)
    %scan3A_27 = arith.constant 0 : i32
    %scan3A_28 = arith.constant 0 : i32
    %scan3A_29 = arith.constant 96 : i32
    %scan3A_30 = arith.addi %scan3A_28, %scan3A_29 : i32
    %scan3A_31 = arith.constant 2 : i32
    %scan3A_32 = scf.for %scan3A_45 = %scan3A_28 to %scan3A_30 step %scan3A_31 iter_args(%scan3A_46 = %scan3A_27) -> (i32)  : i32 {
      %mul3A_47 = arith.constant 8 : i32
      %mul3A_48 = arith.muli %scan3A_45, %mul3A_47 : i32
      %add3A_49 = arith.constant 0 : i32
      %add3A_50 = arith.addi %mul3A_48, %add3A_49 : i32
      %mul3A_51 = arith.constant 16 : i32
      %mul3A_52 = arith.muli %add3A_50, %mul3A_51 : i32
      %get3A = arith.index_cast %mul3A_52 : i32 to index
      %get3A_53 = tpu.vector_load %arg4[%get3A] {strides = array<i32>} : memref<12288xi32, #tpu.memory_space<vmem>>, vector<16xi32>,
      %mul3A_54 = arith.constant 8 : i32
      %mul3A_55 = arith.muli %scan3A_45, %mul3A_54 : i32
      %add3A_56 = arith.constant 1 : i32
      %add3A_57 = arith.addi %mul3A_55, %add3A_56 : i32
      %mul3A_58 = arith.constant 16 : i32
      %mul3A_59 = arith.muli %add3A_57, %mul3A_58 : i32
      %get3A_60 = arith.index_cast %mul3A_59 : i32 to index
      %get3A_61 = tpu.vector_load %arg4[%get3A_60] {strides = array<i32>} : memref<12288xi32, #tpu.memory_space<vmem>>, vector<16xi32>,
      %mul3A_62 = arith.constant 8 : i32
      %mul3A_63 = arith.muli %scan3A_45, %mul3A_62 : i32
      %add3A_64 = arith.constant 2 : i32
      %add3A_65 = arith.addi %mul3A_63, %add3A_64 : i32
      %mul3A_66 = arith.constant 16 : i32
      %mul3A_67 = arith.muli %add3A_65, %mul3A_66 : i32
      %get3A_68 = arith.index_cast %mul3A_67 : i32 to index
      %get3A_69 = tpu.vector_load %arg4[%get3A_68] {strides = array<i32>} : memref<12288xi32, #tpu.memory_space<vmem>>, vector<16xi32>,
      %mul3A_70 = arith.constant 8 : i32
      %mul3A_71 = arith.muli %scan3A_45, %mul3A_70 : i32
      %add3A_72 = arith.constant 3 : i32
      %add3A_73 = arith.addi %mul3A_71, %add3A_72 : i32
      %mul3A_74 = arith.constant 16 : i32
      %mul3A_75 = arith.muli %add3A_73, %mul3A_74 : i32
      %get3A_76 = arith.index_cast %mul3A_75 : i32 to index
      %get3A_77 = tpu.vector_load %arg4[%get3A_76] {strides = array<i32>} : memref<12288xi32, #tpu.memory_space<vmem>>, vector<16xi32>,
      %mul3A_78 = arith.constant 8 : i32
      %mul3A_79 = arith.muli %scan3A_45, %mul3A_78 : i32
      %add3A_80 = arith.constant 4 : i32
      %add3A_81 = arith.addi %mul3A_79, %add3A_80 : i32
      %mul3A_82 = arith.constant 16 : i32
      %mul3A_83 = arith.muli %add3A_81, %mul3A_82 : i32
      %get3A_84 = arith.index_cast %mul3A_83 : i32 to index
      %get3A_85 = tpu.vector_load %arg4[%get3A_84] {strides = array<i32>} : memref<12288xi32, #tpu.memory_space<vmem>>, vector<16xi32>,
      %mul3A_86 = arith.constant 8 : i32
      %mul3A_87 = arith.muli %scan3A_45, %mul3A_86 : i32
      %add3A_88 = arith.constant 5 : i32
      %add3A_89 = arith.addi %mul3A_87, %add3A_88 : i32
      %mul3A_90 = arith.constant 16 : i32
      %mul3A_91 = arith.muli %add3A_89, %mul3A_90 : i32
      %get3A_92 = arith.index_cast %mul3A_91 : i32 to index
      %get3A_93 = tpu.vector_load %arg4[%get3A_92] {strides = array<i32>} : memref<12288xi32, #tpu.memory_space<vmem>>, vector<16xi32>,
      %mul3A_94 = arith.constant 8 : i32
      %mul3A_95 = arith.muli %scan3A_45, %mul3A_94 : i32
      %add3A_96 = arith.constant 6 : i32
      %add3A_97 = arith.addi %mul3A_95, %add3A_96 : i32
      %mul3A_98 = arith.constant 16 : i32
      %mul3A_99 = arith.muli %add3A_97, %mul3A_98 : i32
      %get3A_100 = arith.index_cast %mul3A_99 : i32 to index
      %get3A_101 = tpu.vector_load %arg4[%get3A_100] {strides = array<i32>} : memref<12288xi32, #tpu.memory_space<vmem>>, vector<16xi32>,
      %mul3A_102 = arith.constant 8 : i32
      %mul3A_103 = arith.muli %scan3A_45, %mul3A_102 : i32
      %add3A_104 = arith.constant 7 : i32
      %add3A_105 = arith.addi %mul3A_103, %add3A_104 : i32
      %mul3A_106 = arith.constant 16 : i32
      %mul3A_107 = arith.muli %add3A_105, %mul3A_106 : i32
      %get3A_108 = arith.index_cast %mul3A_107 : i32 to index
      %get3A_109 = tpu.vector_load %arg4[%get3A_108] {strides = array<i32>} : memref<12288xi32, #tpu.memory_space<vmem>>, vector<16xi32>,
      %shift_right_arithmetic3A = arith.constant 31 : i32
      %shift_right_arithmetic3A_110 = vector.broadcast %shift_right_arithmetic3A : i32 to vector<16xi32>
      %shift_right_arithmetic3A_111 = arith.shrsi %get3A_53, %shift_right_arithmetic3A_110 : vector<16xi32>
      %or3A = arith.constant -2147483648 : i32
      %or3A_112 = vector.broadcast %or3A : i32 to vector<16xi32>
      %or3A_113 = arith.ori %shift_right_arithmetic3A_111, %or3A_112 : vector<16xi32>
      %xor3A = arith.xori %get3A_53, %or3A_113 : vector<16xi32>
      %shift_right_logical3A = arith.constant 16 : i32
      %shift_right_logical3A_114 = vector.broadcast %shift_right_logical3A : i32 to vector<16xi32>
      %shift_right_logical3A_115 = arith.shrui %xor3A, %shift_right_logical3A_114 : vector<16xi32>
      %and3A = arith.constant 65520 : i32
      %and3A_116 = vector.broadcast %and3A : i32 to vector<16xi32>
      %and3A_117 = arith.andi %shift_right_logical3A_115, %and3A_116 : vector<16xi32>
      %or3A_118 = arith.ori %and3A_117, %iota3A : vector<16xi32>
      %shift_right_arithmetic3A_119 = arith.constant 31 : i32
      %shift_right_arithmetic3A_120 = vector.broadcast %shift_right_arithmetic3A_119 : i32 to vector<16xi32>
      %shift_right_arithmetic3A_121 = arith.shrsi %get3A_61, %shift_right_arithmetic3A_120 : vector<16xi32>
      %or3A_122 = arith.constant -2147483648 : i32
      %or3A_123 = vector.broadcast %or3A_122 : i32 to vector<16xi32>
      %or3A_124 = arith.ori %shift_right_arithmetic3A_121, %or3A_123 : vector<16xi32>
      %xor3A_125 = arith.xori %get3A_61, %or3A_124 : vector<16xi32>
      %shift_right_logical3A_126 = arith.constant 16 : i32
      %shift_right_logical3A_127 = vector.broadcast %shift_right_logical3A_126 : i32 to vector<16xi32>
      %shift_right_logical3A_128 = arith.shrui %xor3A_125, %shift_right_logical3A_127 : vector<16xi32>
      %and3A_129 = arith.constant 65520 : i32
      %and3A_130 = vector.broadcast %and3A_129 : i32 to vector<16xi32>
      %and3A_131 = arith.andi %shift_right_logical3A_128, %and3A_130 : vector<16xi32>
      %or3A_132 = arith.ori %and3A_131, %iota3A : vector<16xi32>
      %shift_right_arithmetic3A_133 = arith.constant 31 : i32
      %shift_right_arithmetic3A_134 = vector.broadcast %shift_right_arithmetic3A_133 : i32 to vector<16xi32>
      %shift_right_arithmetic3A_135 = arith.shrsi %get3A_69, %shift_right_arithmetic3A_134 : vector<16xi32>
      %or3A_136 = arith.constant -2147483648 : i32
      %or3A_137 = vector.broadcast %or3A_136 : i32 to vector<16xi32>
      %or3A_138 = arith.ori %shift_right_arithmetic3A_135, %or3A_137 : vector<16xi32>
      %xor3A_139 = arith.xori %get3A_69, %or3A_138 : vector<16xi32>
      %shift_right_logical3A_140 = arith.constant 16 : i32
      %shift_right_logical3A_141 = vector.broadcast %shift_right_logical3A_140 : i32 to vector<16xi32>
      %shift_right_logical3A_142 = arith.shrui %xor3A_139, %shift_right_logical3A_141 : vector<16xi32>
      %and3A_143 = arith.constant 65520 : i32
      %and3A_144 = vector.broadcast %and3A_143 : i32 to vector<16xi32>
      %and3A_145 = arith.andi %shift_right_logical3A_142, %and3A_144 : vector<16xi32>
      %or3A_146 = arith.ori %and3A_145, %iota3A : vector<16xi32>
      %shift_right_arithmetic3A_147 = arith.constant 31 : i32
      %shift_right_arithmetic3A_148 = vector.broadcast %shift_right_arithmetic3A_147 : i32 to vector<16xi32>
      %shift_right_arithmetic3A_149 = arith.shrsi %get3A_77, %shift_right_arithmetic3A_148 : vector<16xi32>
      %or3A_150 = arith.constant -2147483648 : i32
      %or3A_151 = vector.broadcast %or3A_150 : i32 to vector<16xi32>
      %or3A_152 = arith.ori %shift_right_arithmetic3A_149, %or3A_151 : vector<16xi32>
      %xor3A_153 = arith.xori %get3A_77, %or3A_152 : vector<16xi32>
      %shift_right_logical3A_154 = arith.constant 16 : i32
      %shift_right_logical3A_155 = vector.broadcast %shift_right_logical3A_154 : i32 to vector<16xi32>
      %shift_right_logical3A_156 = arith.shrui %xor3A_153, %shift_right_logical3A_155 : vector<16xi32>
      %and3A_157 = arith.constant 65520 : i32
      %and3A_158 = vector.broadcast %and3A_157 : i32 to vector<16xi32>
      %and3A_159 = arith.andi %shift_right_logical3A_156, %and3A_158 : vector<16xi32>
      %or3A_160 = arith.ori %and3A_159, %iota3A : vector<16xi32>
      %shift_right_arithmetic3A_161 = arith.constant 31 : i32
      %shift_right_arithmetic3A_162 = vector.broadcast %shift_right_arithmetic3A_161 : i32 to vector<16xi32>
      %shift_right_arithmetic3A_163 = arith.shrsi %get3A_85, %shift_right_arithmetic3A_162 : vector<16xi32>
      %or3A_164 = arith.constant -2147483648 : i32
      %or3A_165 = vector.broadcast %or3A_164 : i32 to vector<16xi32>
      %or3A_166 = arith.ori %shift_right_arithmetic3A_163, %or3A_165 : vector<16xi32>
      %xor3A_167 = arith.xori %get3A_85, %or3A_166 : vector<16xi32>
      %shift_right_logical3A_168 = arith.constant 16 : i32
      %shift_right_logical3A_169 = vector.broadcast %shift_right_logical3A_168 : i32 to vector<16xi32>
      %shift_right_logical3A_170 = arith.shrui %xor3A_167, %shift_right_logical3A_169 : vector<16xi32>
      %and3A_171 = arith.constant 65520 : i32
      %and3A_172 = vector.broadcast %and3A_171 : i32 to vector<16xi32>
      %and3A_173 = arith.andi %shift_right_logical3A_170, %and3A_172 : vector<16xi32>
      %or3A_174 = arith.ori %and3A_173, %iota3A : vector<16xi32>
      %shift_right_arithmetic3A_175 = arith.constant 31 : i32
      %shift_right_arithmetic3A_176 = vector.broadcast %shift_right_arithmetic3A_175 : i32 to vector<16xi32>
      %shift_right_arithmetic3A_177 = arith.shrsi %get3A_93, %shift_right_arithmetic3A_176 : vector<16xi32>
      %or3A_178 = arith.constant -2147483648 : i32
      %or3A_179 = vector.broadcast %or3A_178 : i32 to vector<16xi32>
      %or3A_180 = arith.ori %shift_right_arithmetic3A_177, %or3A_179 : vector<16xi32>
      %xor3A_181 = arith.xori %get3A_93, %or3A_180 : vector<16xi32>
      %shift_right_logical3A_182 = arith.constant 16 : i32
      %shift_right_logical3A_183 = vector.broadcast %shift_right_logical3A_182 : i32 to vector<16xi32>
      %shift_right_logical3A_184 = arith.shrui %xor3A_181, %shift_right_logical3A_183 : vector<16xi32>
      %and3A_185 = arith.constant 65520 : i32
      %and3A_186 = vector.broadcast %and3A_185 : i32 to vector<16xi32>
      %and3A_187 = arith.andi %shift_right_logical3A_184, %and3A_186 : vector<16xi32>
      %or3A_188 = arith.ori %and3A_187, %iota3A : vector<16xi32>
      %shift_right_arithmetic3A_189 = arith.constant 31 : i32
      %shift_right_arithmetic3A_190 = vector.broadcast %shift_right_arithmetic3A_189 : i32 to vector<16xi32>
      %shift_right_arithmetic3A_191 = arith.shrsi %get3A_101, %shift_right_arithmetic3A_190 : vector<16xi32>
      %or3A_192 = arith.constant -2147483648 : i32
      %or3A_193 = vector.broadcast %or3A_192 : i32 to vector<16xi32>
      %or3A_194 = arith.ori %shift_right_arithmetic3A_191, %or3A_193 : vector<16xi32>
      %xor3A_195 = arith.xori %get3A_101, %or3A_194 : vector<16xi32>
      %shift_right_logical3A_196 = arith.constant 16 : i32
      %shift_right_logical3A_197 = vector.broadcast %shift_right_logical3A_196 : i32 to vector<16xi32>
      %shift_right_logical3A_198 = arith.shrui %xor3A_195, %shift_right_logical3A_197 : vector<16xi32>
      %and3A_199 = arith.constant 65520 : i32
      %and3A_200 = vector.broadcast %and3A_199 : i32 to vector<16xi32>
      %and3A_201 = arith.andi %shift_right_logical3A_198, %and3A_200 : vector<16xi32>
      %or3A_202 = arith.ori %and3A_201, %iota3A : vector<16xi32>
      %shift_right_arithmetic3A_203 = arith.constant 31 : i32
      %shift_right_arithmetic3A_204 = vector.broadcast %shift_right_arithmetic3A_203 : i32 to vector<16xi32>
      %shift_right_arithmetic3A_205 = arith.shrsi %get3A_109, %shift_right_arithmetic3A_204 : vector<16xi32>
      %or3A_206 = arith.constant -2147483648 : i32
      %or3A_207 = vector.broadcast %or3A_206 : i32 to vector<16xi32>
      %or3A_208 = arith.ori %shift_right_arithmetic3A_205, %or3A_207 : vector<16xi32>
      %xor3A_209 = arith.xori %get3A_109, %or3A_208 : vector<16xi32>
      %shift_right_logical3A_210 = arith.constant 16 : i32
      %shift_right_logical3A_211 = vector.broadcast %shift_right_logical3A_210 : i32 to vector<16xi32>
      %shift_right_logical3A_212 = arith.shrui %xor3A_209, %shift_right_logical3A_211 : vector<16xi32>
      %and3A_213 = arith.constant 65520 : i32
      %and3A_214 = vector.broadcast %and3A_213 : i32 to vector<16xi32>
      %and3A_215 = arith.andi %shift_right_logical3A_212, %and3A_214 : vector<16xi32>
      %or3A_216 = arith.ori %and3A_215, %iota3A : vector<16xi32>
      tpu.vector_store_idx %arg6[%or3A_118], %broadcast_in_dim3A_3 {add = true} : memref<65536xi32, #tpu.memory_space<vmem>>[vector<16xi32>], vector<16xi32>,
      tpu.vector_store_idx %arg6[%or3A_132], %broadcast_in_dim3A_3 {add = true} : memref<65536xi32, #tpu.memory_space<vmem>>[vector<16xi32>], vector<16xi32>,
      tpu.vector_store_idx %arg6[%or3A_146], %broadcast_in_dim3A_3 {add = true} : memref<65536xi32, #tpu.memory_space<vmem>>[vector<16xi32>], vector<16xi32>,
      tpu.vector_store_idx %arg6[%or3A_160], %broadcast_in_dim3A_3 {add = true} : memref<65536xi32, #tpu.memory_space<vmem>>[vector<16xi32>], vector<16xi32>,
      tpu.vector_store_idx %arg6[%or3A_174], %broadcast_in_dim3A_3 {add = true} : memref<65536xi32, #tpu.memory_space<vmem>>[vector<16xi32>], vector<16xi32>,
      tpu.vector_store_idx %arg6[%or3A_188], %broadcast_in_dim3A_3 {add = true} : memref<65536xi32, #tpu.memory_space<vmem>>[vector<16xi32>], vector<16xi32>,
      tpu.vector_store_idx %arg6[%or3A_202], %broadcast_in_dim3A_3 {add = true} : memref<65536xi32, #tpu.memory_space<vmem>>[vector<16xi32>], vector<16xi32>,
      tpu.vector_store_idx %arg6[%or3A_216], %broadcast_in_dim3A_3 {add = true} : memref<65536xi32, #tpu.memory_space<vmem>>[vector<16xi32>], vector<16xi32>,
      %scan3A_217 = arith.constant 0 : i32
      %scan3A_218 = arith.constant 1 : i32
      %scan3A_219 = arith.addi %scan3A_45, %scan3A_218 : i32
      %mul3A_220 = arith.constant 8 : i32
      %mul3A_221 = arith.muli %scan3A_219, %mul3A_220 : i32
      %add3A_222 = arith.constant 0 : i32
      %add3A_223 = arith.addi %mul3A_221, %add3A_222 : i32
      %mul3A_224 = arith.constant 16 : i32
      %mul3A_225 = arith.muli %add3A_223, %mul3A_224 : i32
      %get3A_226 = arith.index_cast %mul3A_225 : i32 to index
      %get3A_227 = tpu.vector_load %arg4[%get3A_226] {strides = array<i32>} : memref<12288xi32, #tpu.memory_space<vmem>>, vector<16xi32>,
      %mul3A_228 = arith.constant 8 : i32
      %mul3A_229 = arith.muli %scan3A_219, %mul3A_228 : i32
      %add3A_230 = arith.constant 1 : i32
      %add3A_231 = arith.addi %mul3A_229, %add3A_230 : i32
      %mul3A_232 = arith.constant 16 : i32
      %mul3A_233 = arith.muli %add3A_231, %mul3A_232 : i32
      %get3A_234 = arith.index_cast %mul3A_233 : i32 to index
      %get3A_235 = tpu.vector_load %arg4[%get3A_234] {strides = array<i32>} : memref<12288xi32, #tpu.memory_space<vmem>>, vector<16xi32>,
      %mul3A_236 = arith.constant 8 : i32
      %mul3A_237 = arith.muli %scan3A_219, %mul3A_236 : i32
      %add3A_238 = arith.constant 2 : i32
      %add3A_239 = arith.addi %mul3A_237, %add3A_238 : i32
      %mul3A_240 = arith.constant 16 : i32
      %mul3A_241 = arith.muli %add3A_239, %mul3A_240 : i32
      %get3A_242 = arith.index_cast %mul3A_241 : i32 to index
      %get3A_243 = tpu.vector_load %arg4[%get3A_242] {strides = array<i32>} : memref<12288xi32, #tpu.memory_space<vmem>>, vector<16xi32>,
      %mul3A_244 = arith.constant 8 : i32
      %mul3A_245 = arith.muli %scan3A_219, %mul3A_244 : i32
      %add3A_246 = arith.constant 3 : i32
      %add3A_247 = arith.addi %mul3A_245, %add3A_246 : i32
      %mul3A_248 = arith.constant 16 : i32
      %mul3A_249 = arith.muli %add3A_247, %mul3A_248 : i32
      %get3A_250 = arith.index_cast %mul3A_249 : i32 to index
      %get3A_251 = tpu.vector_load %arg4[%get3A_250] {strides = array<i32>} : memref<12288xi32, #tpu.memory_space<vmem>>, vector<16xi32>,
      %mul3A_252 = arith.constant 8 : i32
      %mul3A_253 = arith.muli %scan3A_219, %mul3A_252 : i32
      %add3A_254 = arith.constant 4 : i32
      %add3A_255 = arith.addi %mul3A_253, %add3A_254 : i32
      %mul3A_256 = arith.constant 16 : i32
      %mul3A_257 = arith.muli %add3A_255, %mul3A_256 : i32
      %get3A_258 = arith.index_cast %mul3A_257 : i32 to index
      %get3A_259 = tpu.vector_load %arg4[%get3A_258] {strides = array<i32>} : memref<12288xi32, #tpu.memory_space<vmem>>, vector<16xi32>,
      %mul3A_260 = arith.constant 8 : i32
      %mul3A_261 = arith.muli %scan3A_219, %mul3A_260 : i32
      %add3A_262 = arith.constant 5 : i32
      %add3A_263 = arith.addi %mul3A_261, %add3A_262 : i32
      %mul3A_264 = arith.constant 16 : i32
      %mul3A_265 = arith.muli %add3A_263, %mul3A_264 : i32
      %get3A_266 = arith.index_cast %mul3A_265 : i32 to index
      %get3A_267 = tpu.vector_load %arg4[%get3A_266] {strides = array<i32>} : memref<12288xi32, #tpu.memory_space<vmem>>, vector<16xi32>,
      %mul3A_268 = arith.constant 8 : i32
      %mul3A_269 = arith.muli %scan3A_219, %mul3A_268 : i32
      %add3A_270 = arith.constant 6 : i32
      %add3A_271 = arith.addi %mul3A_269, %add3A_270 : i32
      %mul3A_272 = arith.constant 16 : i32
      %mul3A_273 = arith.muli %add3A_271, %mul3A_272 : i32
      %get3A_274 = arith.index_cast %mul3A_273 : i32 to index
      %get3A_275 = tpu.vector_load %arg4[%get3A_274] {strides = array<i32>} : memref<12288xi32, #tpu.memory_space<vmem>>, vector<16xi32>,
      %mul3A_276 = arith.constant 8 : i32
      %mul3A_277 = arith.muli %scan3A_219, %mul3A_276 : i32
      %add3A_278 = arith.constant 7 : i32
      %add3A_279 = arith.addi %mul3A_277, %add3A_278 : i32
      %mul3A_280 = arith.constant 16 : i32
      %mul3A_281 = arith.muli %add3A_279, %mul3A_280 : i32
      %get3A_282 = arith.index_cast %mul3A_281 : i32 to index
      %get3A_283 = tpu.vector_load %arg4[%get3A_282] {strides = array<i32>} : memref<12288xi32, #tpu.memory_space<vmem>>, vector<16xi32>,
      %shift_right_arithmetic3A_284 = arith.constant 31 : i32
      %shift_right_arithmetic3A_285 = vector.broadcast %shift_right_arithmetic3A_284 : i32 to vector<16xi32>
      %shift_right_arithmetic3A_286 = arith.shrsi %get3A_227, %shift_right_arithmetic3A_285 : vector<16xi32>
      %or3A_287 = arith.constant -2147483648 : i32
      %or3A_288 = vector.broadcast %or3A_287 : i32 to vector<16xi32>
      %or3A_289 = arith.ori %shift_right_arithmetic3A_286, %or3A_288 : vector<16xi32>
      %xor3A_290 = arith.xori %get3A_227, %or3A_289 : vector<16xi32>
      %shift_right_logical3A_291 = arith.constant 16 : i32
      %shift_right_logical3A_292 = vector.broadcast %shift_right_logical3A_291 : i32 to vector<16xi32>
      %shift_right_logical3A_293 = arith.shrui %xor3A_290, %shift_right_logical3A_292 : vector<16xi32>
      %and3A_294 = arith.constant 65520 : i32
      %and3A_295 = vector.broadcast %and3A_294 : i32 to vector<16xi32>
      %and3A_296 = arith.andi %shift_right_logical3A_293, %and3A_295 : vector<16xi32>
      %or3A_297 = arith.ori %and3A_296, %iota3A : vector<16xi32>
      %shift_right_arithmetic3A_298 = arith.constant 31 : i32
      %shift_right_arithmetic3A_299 = vector.broadcast %shift_right_arithmetic3A_298 : i32 to vector<16xi32>
      %shift_right_arithmetic3A_300 = arith.shrsi %get3A_235, %shift_right_arithmetic3A_299 : vector<16xi32>
      %or3A_301 = arith.constant -2147483648 : i32
      %or3A_302 = vector.broadcast %or3A_301 : i32 to vector<16xi32>
      %or3A_303 = arith.ori %shift_right_arithmetic3A_300, %or3A_302 : vector<16xi32>
      %xor3A_304 = arith.xori %get3A_235, %or3A_303 : vector<16xi32>
      %shift_right_logical3A_305 = arith.constant 16 : i32
      %shift_right_logical3A_306 = vector.broadcast %shift_right_logical3A_305 : i32 to vector<16xi32>
      %shift_right_logical3A_307 = arith.shrui %xor3A_304, %shift_right_logical3A_306 : vector<16xi32>
      %and3A_308 = arith.constant 65520 : i32
      %and3A_309 = vector.broadcast %and3A_308 : i32 to vector<16xi32>
      %and3A_310 = arith.andi %shift_right_logical3A_307, %and3A_309 : vector<16xi32>
      %or3A_311 = arith.ori %and3A_310, %iota3A : vector<16xi32>
      %shift_right_arithmetic3A_312 = arith.constant 31 : i32
      %shift_right_arithmetic3A_313 = vector.broadcast %shift_right_arithmetic3A_312 : i32 to vector<16xi32>
      %shift_right_arithmetic3A_314 = arith.shrsi %get3A_243, %shift_right_arithmetic3A_313 : vector<16xi32>
      %or3A_315 = arith.constant -2147483648 : i32
      %or3A_316 = vector.broadcast %or3A_315 : i32 to vector<16xi32>
      %or3A_317 = arith.ori %shift_right_arithmetic3A_314, %or3A_316 : vector<16xi32>
      %xor3A_318 = arith.xori %get3A_243, %or3A_317 : vector<16xi32>
      %shift_right_logical3A_319 = arith.constant 16 : i32
      %shift_right_logical3A_320 = vector.broadcast %shift_right_logical3A_319 : i32 to vector<16xi32>
      %shift_right_logical3A_321 = arith.shrui %xor3A_318, %shift_right_logical3A_320 : vector<16xi32>
      %and3A_322 = arith.constant 65520 : i32
      %and3A_323 = vector.broadcast %and3A_322 : i32 to vector<16xi32>
      %and3A_324 = arith.andi %shift_right_logical3A_321, %and3A_323 : vector<16xi32>
      %or3A_325 = arith.ori %and3A_324, %iota3A : vector<16xi32>
      %shift_right_arithmetic3A_326 = arith.constant 31 : i32
      %shift_right_arithmetic3A_327 = vector.broadcast %shift_right_arithmetic3A_326 : i32 to vector<16xi32>
      %shift_right_arithmetic3A_328 = arith.shrsi %get3A_251, %shift_right_arithmetic3A_327 : vector<16xi32>
      %or3A_329 = arith.constant -2147483648 : i32
      %or3A_330 = vector.broadcast %or3A_329 : i32 to vector<16xi32>
      %or3A_331 = arith.ori %shift_right_arithmetic3A_328, %or3A_330 : vector<16xi32>
      %xor3A_332 = arith.xori %get3A_251, %or3A_331 : vector<16xi32>
      %shift_right_logical3A_333 = arith.constant 16 : i32
      %shift_right_logical3A_334 = vector.broadcast %shift_right_logical3A_333 : i32 to vector<16xi32>
      %shift_right_logical3A_335 = arith.shrui %xor3A_332, %shift_right_logical3A_334 : vector<16xi32>
      %and3A_336 = arith.constant 65520 : i32
      %and3A_337 = vector.broadcast %and3A_336 : i32 to vector<16xi32>
      %and3A_338 = arith.andi %shift_right_logical3A_335, %and3A_337 : vector<16xi32>
      %or3A_339 = arith.ori %and3A_338, %iota3A : vector<16xi32>
      %shift_right_arithmetic3A_340 = arith.constant 31 : i32
      %shift_right_arithmetic3A_341 = vector.broadcast %shift_right_arithmetic3A_340 : i32 to vector<16xi32>
      %shift_right_arithmetic3A_342 = arith.shrsi %get3A_259, %shift_right_arithmetic3A_341 : vector<16xi32>
      %or3A_343 = arith.constant -2147483648 : i32
      %or3A_344 = vector.broadcast %or3A_343 : i32 to vector<16xi32>
      %or3A_345 = arith.ori %shift_right_arithmetic3A_342, %or3A_344 : vector<16xi32>
      %xor3A_346 = arith.xori %get3A_259, %or3A_345 : vector<16xi32>
      %shift_right_logical3A_347 = arith.constant 16 : i32
      %shift_right_logical3A_348 = vector.broadcast %shift_right_logical3A_347 : i32 to vector<16xi32>
      %shift_right_logical3A_349 = arith.shrui %xor3A_346, %shift_right_logical3A_348 : vector<16xi32>
      %and3A_350 = arith.constant 65520 : i32
      %and3A_351 = vector.broadcast %and3A_350 : i32 to vector<16xi32>
      %and3A_352 = arith.andi %shift_right_logical3A_349, %and3A_351 : vector<16xi32>
      %or3A_353 = arith.ori %and3A_352, %iota3A : vector<16xi32>
      %shift_right_arithmetic3A_354 = arith.constant 31 : i32
      %shift_right_arithmetic3A_355 = vector.broadcast %shift_right_arithmetic3A_354 : i32 to vector<16xi32>
      %shift_right_arithmetic3A_356 = arith.shrsi %get3A_267, %shift_right_arithmetic3A_355 : vector<16xi32>
      %or3A_357 = arith.constant -2147483648 : i32
      %or3A_358 = vector.broadcast %or3A_357 : i32 to vector<16xi32>
      %or3A_359 = arith.ori %shift_right_arithmetic3A_356, %or3A_358 : vector<16xi32>
      %xor3A_360 = arith.xori %get3A_267, %or3A_359 : vector<16xi32>
      %shift_right_logical3A_361 = arith.constant 16 : i32
      %shift_right_logical3A_362 = vector.broadcast %shift_right_logical3A_361 : i32 to vector<16xi32>
      %shift_right_logical3A_363 = arith.shrui %xor3A_360, %shift_right_logical3A_362 : vector<16xi32>
      %and3A_364 = arith.constant 65520 : i32
      %and3A_365 = vector.broadcast %and3A_364 : i32 to vector<16xi32>
      %and3A_366 = arith.andi %shift_right_logical3A_363, %and3A_365 : vector<16xi32>
      %or3A_367 = arith.ori %and3A_366, %iota3A : vector<16xi32>
      %shift_right_arithmetic3A_368 = arith.constant 31 : i32
      %shift_right_arithmetic3A_369 = vector.broadcast %shift_right_arithmetic3A_368 : i32 to vector<16xi32>
      %shift_right_arithmetic3A_370 = arith.shrsi %get3A_275, %shift_right_arithmetic3A_369 : vector<16xi32>
      %or3A_371 = arith.constant -2147483648 : i32
      %or3A_372 = vector.broadcast %or3A_371 : i32 to vector<16xi32>
      %or3A_373 = arith.ori %shift_right_arithmetic3A_370, %or3A_372 : vector<16xi32>
      %xor3A_374 = arith.xori %get3A_275, %or3A_373 : vector<16xi32>
      %shift_right_logical3A_375 = arith.constant 16 : i32
      %shift_right_logical3A_376 = vector.broadcast %shift_right_logical3A_375 : i32 to vector<16xi32>
      %shift_right_logical3A_377 = arith.shrui %xor3A_374, %shift_right_logical3A_376 : vector<16xi32>
      %and3A_378 = arith.constant 65520 : i32
      %and3A_379 = vector.broadcast %and3A_378 : i32 to vector<16xi32>
      %and3A_380 = arith.andi %shift_right_logical3A_377, %and3A_379 : vector<16xi32>
      %or3A_381 = arith.ori %and3A_380, %iota3A : vector<16xi32>
      %shift_right_arithmetic3A_382 = arith.constant 31 : i32
      %shift_right_arithmetic3A_383 = vector.broadcast %shift_right_arithmetic3A_382 : i32 to vector<16xi32>
      %shift_right_arithmetic3A_384 = arith.shrsi %get3A_283, %shift_right_arithmetic3A_383 : vector<16xi32>
      %or3A_385 = arith.constant -2147483648 : i32
      %or3A_386 = vector.broadcast %or3A_385 : i32 to vector<16xi32>
      %or3A_387 = arith.ori %shift_right_arithmetic3A_384, %or3A_386 : vector<16xi32>
      %xor3A_388 = arith.xori %get3A_283, %or3A_387 : vector<16xi32>
      %shift_right_logical3A_389 = arith.constant 16 : i32
      %shift_right_logical3A_390 = vector.broadcast %shift_right_logical3A_389 : i32 to vector<16xi32>
      %shift_right_logical3A_391 = arith.shrui %xor3A_388, %shift_right_logical3A_390 : vector<16xi32>
      %and3A_392 = arith.constant 65520 : i32
      %and3A_393 = vector.broadcast %and3A_392 : i32 to vector<16xi32>
      %and3A_394 = arith.andi %shift_right_logical3A_391, %and3A_393 : vector<16xi32>
      %or3A_395 = arith.ori %and3A_394, %iota3A : vector<16xi32>
      tpu.vector_store_idx %arg6[%or3A_297], %broadcast_in_dim3A_3 {add = true} : memref<65536xi32, #tpu.memory_space<vmem>>[vector<16xi32>], vector<16xi32>,
      tpu.vector_store_idx %arg6[%or3A_311], %broadcast_in_dim3A_3 {add = true} : memref<65536xi32, #tpu.memory_space<vmem>>[vector<16xi32>], vector<16xi32>,
      tpu.vector_store_idx %arg6[%or3A_325], %broadcast_in_dim3A_3 {add = true} : memref<65536xi32, #tpu.memory_space<vmem>>[vector<16xi32>], vector<16xi32>,
      tpu.vector_store_idx %arg6[%or3A_339], %broadcast_in_dim3A_3 {add = true} : memref<65536xi32, #tpu.memory_space<vmem>>[vector<16xi32>], vector<16xi32>,
      tpu.vector_store_idx %arg6[%or3A_353], %broadcast_in_dim3A_3 {add = true} : memref<65536xi32, #tpu.memory_space<vmem>>[vector<16xi32>], vector<16xi32>,
      tpu.vector_store_idx %arg6[%or3A_367], %broadcast_in_dim3A_3 {add = true} : memref<65536xi32, #tpu.memory_space<vmem>>[vector<16xi32>], vector<16xi32>,
      tpu.vector_store_idx %arg6[%or3A_381], %broadcast_in_dim3A_3 {add = true} : memref<65536xi32, #tpu.memory_space<vmem>>[vector<16xi32>], vector<16xi32>,
      tpu.vector_store_idx %arg6[%or3A_395], %broadcast_in_dim3A_3 {add = true} : memref<65536xi32, #tpu.memory_space<vmem>>[vector<16xi32>], vector<16xi32>,
      %scan3A_396 = arith.constant 0 : i32
      scf.yield %scan3A_396 : i32
    }
    %scan3A_33 = arith.constant 96 : i32
    %add3A_34 = arith.constant 1191936 : i32
    %add3A_35 = arith.addi %mul3A_2, %add3A_34 : i32
    %dma_wait3A_36 = tpu.memref_slice %arg2[%add3A_35] : memref<38535168xi32, #tpu.memory_space<hbm>> -> memref<12288xi32, #tpu.memory_space<hbm>>
    %dma_wait3A_37 = tpu.memref_slice %arg2[%add3A_35] : memref<38535168xi32, #tpu.memory_space<hbm>> -> memref<12288xi32, #tpu.memory_space<hbm>>
    tpu.wait_dma2 semaphore(%arg8 : memref<!tpu.dma_semaphore, #tpu.memory_space<semaphore_mem>>) src(%dma_wait3A_37 : memref<12288xi32, #tpu.memory_space<hbm>>) dst(%arg5 : memref<12288xi32, #tpu.memory_space<vmem>>)
    %scan3A_38 = arith.constant 0 : i32
    %scan3A_39 = arith.constant 0 : i32
    %scan3A_40 = arith.constant 96 : i32
    %scan3A_41 = arith.addi %scan3A_39, %scan3A_40 : i32
    %scan3A_42 = arith.constant 2 : i32
    %scan3A_43 = scf.for %scan3A_45 = %scan3A_39 to %scan3A_41 step %scan3A_42 iter_args(%scan3A_46 = %scan3A_38) -> (i32)  : i32 {
      %mul3A_47 = arith.constant 8 : i32
      %mul3A_48 = arith.muli %scan3A_45, %mul3A_47 : i32
      %add3A_49 = arith.constant 0 : i32
      %add3A_50 = arith.addi %mul3A_48, %add3A_49 : i32
      %mul3A_51 = arith.constant 16 : i32
      %mul3A_52 = arith.muli %add3A_50, %mul3A_51 : i32
      %get3A = arith.index_cast %mul3A_52 : i32 to index
      %get3A_53 = tpu.vector_load %arg5[%get3A] {strides = array<i32>} : memref<12288xi32, #tpu.memory_space<vmem>>, vector<16xi32>,
      %mul3A_54 = arith.constant 8 : i32
      %mul3A_55 = arith.muli %scan3A_45, %mul3A_54 : i32
      %add3A_56 = arith.constant 1 : i32
      %add3A_57 = arith.addi %mul3A_55, %add3A_56 : i32
      %mul3A_58 = arith.constant 16 : i32
      %mul3A_59 = arith.muli %add3A_57, %mul3A_58 : i32
      %get3A_60 = arith.index_cast %mul3A_59 : i32 to index
      %get3A_61 = tpu.vector_load %arg5[%get3A_60] {strides = array<i32>} : memref<12288xi32, #tpu.memory_space<vmem>>, vector<16xi32>,
      %mul3A_62 = arith.constant 8 : i32
      %mul3A_63 = arith.muli %scan3A_45, %mul3A_62 : i32
      %add3A_64 = arith.constant 2 : i32
      %add3A_65 = arith.addi %mul3A_63, %add3A_64 : i32
      %mul3A_66 = arith.constant 16 : i32
      %mul3A_67 = arith.muli %add3A_65, %mul3A_66 : i32
      %get3A_68 = arith.index_cast %mul3A_67 : i32 to index
      %get3A_69 = tpu.vector_load %arg5[%get3A_68] {strides = array<i32>} : memref<12288xi32, #tpu.memory_space<vmem>>, vector<16xi32>,
      %mul3A_70 = arith.constant 8 : i32
      %mul3A_71 = arith.muli %scan3A_45, %mul3A_70 : i32
      %add3A_72 = arith.constant 3 : i32
      %add3A_73 = arith.addi %mul3A_71, %add3A_72 : i32
      %mul3A_74 = arith.constant 16 : i32
      %mul3A_75 = arith.muli %add3A_73, %mul3A_74 : i32
      %get3A_76 = arith.index_cast %mul3A_75 : i32 to index
      %get3A_77 = tpu.vector_load %arg5[%get3A_76] {strides = array<i32>} : memref<12288xi32, #tpu.memory_space<vmem>>, vector<16xi32>,
      %mul3A_78 = arith.constant 8 : i32
      %mul3A_79 = arith.muli %scan3A_45, %mul3A_78 : i32
      %add3A_80 = arith.constant 4 : i32
      %add3A_81 = arith.addi %mul3A_79, %add3A_80 : i32
      %mul3A_82 = arith.constant 16 : i32
      %mul3A_83 = arith.muli %add3A_81, %mul3A_82 : i32
      %get3A_84 = arith.index_cast %mul3A_83 : i32 to index
      %get3A_85 = tpu.vector_load %arg5[%get3A_84] {strides = array<i32>} : memref<12288xi32, #tpu.memory_space<vmem>>, vector<16xi32>,
      %mul3A_86 = arith.constant 8 : i32
      %mul3A_87 = arith.muli %scan3A_45, %mul3A_86 : i32
      %add3A_88 = arith.constant 5 : i32
      %add3A_89 = arith.addi %mul3A_87, %add3A_88 : i32
      %mul3A_90 = arith.constant 16 : i32
      %mul3A_91 = arith.muli %add3A_89, %mul3A_90 : i32
      %get3A_92 = arith.index_cast %mul3A_91 : i32 to index
      %get3A_93 = tpu.vector_load %arg5[%get3A_92] {strides = array<i32>} : memref<12288xi32, #tpu.memory_space<vmem>>, vector<16xi32>,
      %mul3A_94 = arith.constant 8 : i32
      %mul3A_95 = arith.muli %scan3A_45, %mul3A_94 : i32
      %add3A_96 = arith.constant 6 : i32
      %add3A_97 = arith.addi %mul3A_95, %add3A_96 : i32
      %mul3A_98 = arith.constant 16 : i32
      %mul3A_99 = arith.muli %add3A_97, %mul3A_98 : i32
      %get3A_100 = arith.index_cast %mul3A_99 : i32 to index
      %get3A_101 = tpu.vector_load %arg5[%get3A_100] {strides = array<i32>} : memref<12288xi32, #tpu.memory_space<vmem>>, vector<16xi32>,
      %mul3A_102 = arith.constant 8 : i32
      %mul3A_103 = arith.muli %scan3A_45, %mul3A_102 : i32
      %add3A_104 = arith.constant 7 : i32
      %add3A_105 = arith.addi %mul3A_103, %add3A_104 : i32
      %mul3A_106 = arith.constant 16 : i32
      %mul3A_107 = arith.muli %add3A_105, %mul3A_106 : i32
      %get3A_108 = arith.index_cast %mul3A_107 : i32 to index
      %get3A_109 = tpu.vector_load %arg5[%get3A_108] {strides = array<i32>} : memref<12288xi32, #tpu.memory_space<vmem>>, vector<16xi32>,
      %shift_right_arithmetic3A = arith.constant 31 : i32
      %shift_right_arithmetic3A_110 = vector.broadcast %shift_right_arithmetic3A : i32 to vector<16xi32>
      %shift_right_arithmetic3A_111 = arith.shrsi %get3A_53, %shift_right_arithmetic3A_110 : vector<16xi32>
      %or3A = arith.constant -2147483648 : i32
      %or3A_112 = vector.broadcast %or3A : i32 to vector<16xi32>
      %or3A_113 = arith.ori %shift_right_arithmetic3A_111, %or3A_112 : vector<16xi32>
      %xor3A = arith.xori %get3A_53, %or3A_113 : vector<16xi32>
      %shift_right_logical3A = arith.constant 16 : i32
      %shift_right_logical3A_114 = vector.broadcast %shift_right_logical3A : i32 to vector<16xi32>
      %shift_right_logical3A_115 = arith.shrui %xor3A, %shift_right_logical3A_114 : vector<16xi32>
      %and3A = arith.constant 65520 : i32
      %and3A_116 = vector.broadcast %and3A : i32 to vector<16xi32>
      %and3A_117 = arith.andi %shift_right_logical3A_115, %and3A_116 : vector<16xi32>
      %or3A_118 = arith.ori %and3A_117, %iota3A : vector<16xi32>
      %shift_right_arithmetic3A_119 = arith.constant 31 : i32
      %shift_right_arithmetic3A_120 = vector.broadcast %shift_right_arithmetic3A_119 : i32 to vector<16xi32>
      %shift_right_arithmetic3A_121 = arith.shrsi %get3A_61, %shift_right_arithmetic3A_120 : vector<16xi32>
      %or3A_122 = arith.constant -2147483648 : i32
      %or3A_123 = vector.broadcast %or3A_122 : i32 to vector<16xi32>
      %or3A_124 = arith.ori %shift_right_arithmetic3A_121, %or3A_123 : vector<16xi32>
      %xor3A_125 = arith.xori %get3A_61, %or3A_124 : vector<16xi32>
      %shift_right_logical3A_126 = arith.constant 16 : i32
      %shift_right_logical3A_127 = vector.broadcast %shift_right_logical3A_126 : i32 to vector<16xi32>
      %shift_right_logical3A_128 = arith.shrui %xor3A_125, %shift_right_logical3A_127 : vector<16xi32>
      %and3A_129 = arith.constant 65520 : i32
      %and3A_130 = vector.broadcast %and3A_129 : i32 to vector<16xi32>
      %and3A_131 = arith.andi %shift_right_logical3A_128, %and3A_130 : vector<16xi32>
      %or3A_132 = arith.ori %and3A_131, %iota3A : vector<16xi32>
      %shift_right_arithmetic3A_133 = arith.constant 31 : i32
      %shift_right_arithmetic3A_134 = vector.broadcast %shift_right_arithmetic3A_133 : i32 to vector<16xi32>
      %shift_right_arithmetic3A_135 = arith.shrsi %get3A_69, %shift_right_arithmetic3A_134 : vector<16xi32>
      %or3A_136 = arith.constant -2147483648 : i32
      %or3A_137 = vector.broadcast %or3A_136 : i32 to vector<16xi32>
      %or3A_138 = arith.ori %shift_right_arithmetic3A_135, %or3A_137 : vector<16xi32>
      %xor3A_139 = arith.xori %get3A_69, %or3A_138 : vector<16xi32>
      %shift_right_logical3A_140 = arith.constant 16 : i32
      %shift_right_logical3A_141 = vector.broadcast %shift_right_logical3A_140 : i32 to vector<16xi32>
      %shift_right_logical3A_142 = arith.shrui %xor3A_139, %shift_right_logical3A_141 : vector<16xi32>
      %and3A_143 = arith.constant 65520 : i32
      %and3A_144 = vector.broadcast %and3A_143 : i32 to vector<16xi32>
      %and3A_145 = arith.andi %shift_right_logical3A_142, %and3A_144 : vector<16xi32>
      %or3A_146 = arith.ori %and3A_145, %iota3A : vector<16xi32>
      %shift_right_arithmetic3A_147 = arith.constant 31 : i32
      %shift_right_arithmetic3A_148 = vector.broadcast %shift_right_arithmetic3A_147 : i32 to vector<16xi32>
      %shift_right_arithmetic3A_149 = arith.shrsi %get3A_77, %shift_right_arithmetic3A_148 : vector<16xi32>
      %or3A_150 = arith.constant -2147483648 : i32
      %or3A_151 = vector.broadcast %or3A_150 : i32 to vector<16xi32>
      %or3A_152 = arith.ori %shift_right_arithmetic3A_149, %or3A_151 : vector<16xi32>
      %xor3A_153 = arith.xori %get3A_77, %or3A_152 : vector<16xi32>
      %shift_right_logical3A_154 = arith.constant 16 : i32
      %shift_right_logical3A_155 = vector.broadcast %shift_right_logical3A_154 : i32 to vector<16xi32>
      %shift_right_logical3A_156 = arith.shrui %xor3A_153, %shift_right_logical3A_155 : vector<16xi32>
      %and3A_157 = arith.constant 65520 : i32
      %and3A_158 = vector.broadcast %and3A_157 : i32 to vector<16xi32>
      %and3A_159 = arith.andi %shift_right_logical3A_156, %and3A_158 : vector<16xi32>
      %or3A_160 = arith.ori %and3A_159, %iota3A : vector<16xi32>
      %shift_right_arithmetic3A_161 = arith.constant 31 : i32
      %shift_right_arithmetic3A_162 = vector.broadcast %shift_right_arithmetic3A_161 : i32 to vector<16xi32>
      %shift_right_arithmetic3A_163 = arith.shrsi %get3A_85, %shift_right_arithmetic3A_162 : vector<16xi32>
      %or3A_164 = arith.constant -2147483648 : i32
      %or3A_165 = vector.broadcast %or3A_164 : i32 to vector<16xi32>
      %or3A_166 = arith.ori %shift_right_arithmetic3A_163, %or3A_165 : vector<16xi32>
      %xor3A_167 = arith.xori %get3A_85, %or3A_166 : vector<16xi32>
      %shift_right_logical3A_168 = arith.constant 16 : i32
      %shift_right_logical3A_169 = vector.broadcast %shift_right_logical3A_168 : i32 to vector<16xi32>
      %shift_right_logical3A_170 = arith.shrui %xor3A_167, %shift_right_logical3A_169 : vector<16xi32>
      %and3A_171 = arith.constant 65520 : i32
      %and3A_172 = vector.broadcast %and3A_171 : i32 to vector<16xi32>
      %and3A_173 = arith.andi %shift_right_logical3A_170, %and3A_172 : vector<16xi32>
      %or3A_174 = arith.ori %and3A_173, %iota3A : vector<16xi32>
      %shift_right_arithmetic3A_175 = arith.constant 31 : i32
      %shift_right_arithmetic3A_176 = vector.broadcast %shift_right_arithmetic3A_175 : i32 to vector<16xi32>
      %shift_right_arithmetic3A_177 = arith.shrsi %get3A_93, %shift_right_arithmetic3A_176 : vector<16xi32>
      %or3A_178 = arith.constant -2147483648 : i32
      %or3A_179 = vector.broadcast %or3A_178 : i32 to vector<16xi32>
      %or3A_180 = arith.ori %shift_right_arithmetic3A_177, %or3A_179 : vector<16xi32>
      %xor3A_181 = arith.xori %get3A_93, %or3A_180 : vector<16xi32>
      %shift_right_logical3A_182 = arith.constant 16 : i32
      %shift_right_logical3A_183 = vector.broadcast %shift_right_logical3A_182 : i32 to vector<16xi32>
      %shift_right_logical3A_184 = arith.shrui %xor3A_181, %shift_right_logical3A_183 : vector<16xi32>
      %and3A_185 = arith.constant 65520 : i32
      %and3A_186 = vector.broadcast %and3A_185 : i32 to vector<16xi32>
      %and3A_187 = arith.andi %shift_right_logical3A_184, %and3A_186 : vector<16xi32>
      %or3A_188 = arith.ori %and3A_187, %iota3A : vector<16xi32>
      %shift_right_arithmetic3A_189 = arith.constant 31 : i32
      %shift_right_arithmetic3A_190 = vector.broadcast %shift_right_arithmetic3A_189 : i32 to vector<16xi32>
      %shift_right_arithmetic3A_191 = arith.shrsi %get3A_101, %shift_right_arithmetic3A_190 : vector<16xi32>
      %or3A_192 = arith.constant -2147483648 : i32
      %or3A_193 = vector.broadcast %or3A_192 : i32 to vector<16xi32>
      %or3A_194 = arith.ori %shift_right_arithmetic3A_191, %or3A_193 : vector<16xi32>
      %xor3A_195 = arith.xori %get3A_101, %or3A_194 : vector<16xi32>
      %shift_right_logical3A_196 = arith.constant 16 : i32
      %shift_right_logical3A_197 = vector.broadcast %shift_right_logical3A_196 : i32 to vector<16xi32>
      %shift_right_logical3A_198 = arith.shrui %xor3A_195, %shift_right_logical3A_197 : vector<16xi32>
      %and3A_199 = arith.constant 65520 : i32
      %and3A_200 = vector.broadcast %and3A_199 : i32 to vector<16xi32>
      %and3A_201 = arith.andi %shift_right_logical3A_198, %and3A_200 : vector<16xi32>
      %or3A_202 = arith.ori %and3A_201, %iota3A : vector<16xi32>
      %shift_right_arithmetic3A_203 = arith.constant 31 : i32
      %shift_right_arithmetic3A_204 = vector.broadcast %shift_right_arithmetic3A_203 : i32 to vector<16xi32>
      %shift_right_arithmetic3A_205 = arith.shrsi %get3A_109, %shift_right_arithmetic3A_204 : vector<16xi32>
      %or3A_206 = arith.constant -2147483648 : i32
      %or3A_207 = vector.broadcast %or3A_206 : i32 to vector<16xi32>
      %or3A_208 = arith.ori %shift_right_arithmetic3A_205, %or3A_207 : vector<16xi32>
      %xor3A_209 = arith.xori %get3A_109, %or3A_208 : vector<16xi32>
      %shift_right_logical3A_210 = arith.constant 16 : i32
      %shift_right_logical3A_211 = vector.broadcast %shift_right_logical3A_210 : i32 to vector<16xi32>
      %shift_right_logical3A_212 = arith.shrui %xor3A_209, %shift_right_logical3A_211 : vector<16xi32>
      %and3A_213 = arith.constant 65520 : i32
      %and3A_214 = vector.broadcast %and3A_213 : i32 to vector<16xi32>
      %and3A_215 = arith.andi %shift_right_logical3A_212, %and3A_214 : vector<16xi32>
      %or3A_216 = arith.ori %and3A_215, %iota3A : vector<16xi32>
      tpu.vector_store_idx %arg6[%or3A_118], %broadcast_in_dim3A_3 {add = true} : memref<65536xi32, #tpu.memory_space<vmem>>[vector<16xi32>], vector<16xi32>,
      tpu.vector_store_idx %arg6[%or3A_132], %broadcast_in_dim3A_3 {add = true} : memref<65536xi32, #tpu.memory_space<vmem>>[vector<16xi32>], vector<16xi32>,
      tpu.vector_store_idx %arg6[%or3A_146], %broadcast_in_dim3A_3 {add = true} : memref<65536xi32, #tpu.memory_space<vmem>>[vector<16xi32>], vector<16xi32>,
      tpu.vector_store_idx %arg6[%or3A_160], %broadcast_in_dim3A_3 {add = true} : memref<65536xi32, #tpu.memory_space<vmem>>[vector<16xi32>], vector<16xi32>,
      tpu.vector_store_idx %arg6[%or3A_174], %broadcast_in_dim3A_3 {add = true} : memref<65536xi32, #tpu.memory_space<vmem>>[vector<16xi32>], vector<16xi32>,
      tpu.vector_store_idx %arg6[%or3A_188], %broadcast_in_dim3A_3 {add = true} : memref<65536xi32, #tpu.memory_space<vmem>>[vector<16xi32>], vector<16xi32>,
      tpu.vector_store_idx %arg6[%or3A_202], %broadcast_in_dim3A_3 {add = true} : memref<65536xi32, #tpu.memory_space<vmem>>[vector<16xi32>], vector<16xi32>,
      tpu.vector_store_idx %arg6[%or3A_216], %broadcast_in_dim3A_3 {add = true} : memref<65536xi32, #tpu.memory_space<vmem>>[vector<16xi32>], vector<16xi32>,
      %scan3A_217 = arith.constant 0 : i32
      %scan3A_218 = arith.constant 1 : i32
      %scan3A_219 = arith.addi %scan3A_45, %scan3A_218 : i32
      %mul3A_220 = arith.constant 8 : i32
      %mul3A_221 = arith.muli %scan3A_219, %mul3A_220 : i32
      %add3A_222 = arith.constant 0 : i32
      %add3A_223 = arith.addi %mul3A_221, %add3A_222 : i32
      %mul3A_224 = arith.constant 16 : i32
      %mul3A_225 = arith.muli %add3A_223, %mul3A_224 : i32
      %get3A_226 = arith.index_cast %mul3A_225 : i32 to index
      %get3A_227 = tpu.vector_load %arg5[%get3A_226] {strides = array<i32>} : memref<12288xi32, #tpu.memory_space<vmem>>, vector<16xi32>,
      %mul3A_228 = arith.constant 8 : i32
      %mul3A_229 = arith.muli %scan3A_219, %mul3A_228 : i32
      %add3A_230 = arith.constant 1 : i32
      %add3A_231 = arith.addi %mul3A_229, %add3A_230 : i32
      %mul3A_232 = arith.constant 16 : i32
      %mul3A_233 = arith.muli %add3A_231, %mul3A_232 : i32
      %get3A_234 = arith.index_cast %mul3A_233 : i32 to index
      %get3A_235 = tpu.vector_load %arg5[%get3A_234] {strides = array<i32>} : memref<12288xi32, #tpu.memory_space<vmem>>, vector<16xi32>,
      %mul3A_236 = arith.constant 8 : i32
      %mul3A_237 = arith.muli %scan3A_219, %mul3A_236 : i32
      %add3A_238 = arith.constant 2 : i32
      %add3A_239 = arith.addi %mul3A_237, %add3A_238 : i32
      %mul3A_240 = arith.constant 16 : i32
      %mul3A_241 = arith.muli %add3A_239, %mul3A_240 : i32
      %get3A_242 = arith.index_cast %mul3A_241 : i32 to index
      %get3A_243 = tpu.vector_load %arg5[%get3A_242] {strides = array<i32>} : memref<12288xi32, #tpu.memory_space<vmem>>, vector<16xi32>,
      %mul3A_244 = arith.constant 8 : i32
      %mul3A_245 = arith.muli %scan3A_219, %mul3A_244 : i32
      %add3A_246 = arith.constant 3 : i32
      %add3A_247 = arith.addi %mul3A_245, %add3A_246 : i32
      %mul3A_248 = arith.constant 16 : i32
      %mul3A_249 = arith.muli %add3A_247, %mul3A_248 : i32
      %get3A_250 = arith.index_cast %mul3A_249 : i32 to index
      %get3A_251 = tpu.vector_load %arg5[%get3A_250] {strides = array<i32>} : memref<12288xi32, #tpu.memory_space<vmem>>, vector<16xi32>,
      %mul3A_252 = arith.constant 8 : i32
      %mul3A_253 = arith.muli %scan3A_219, %mul3A_252 : i32
      %add3A_254 = arith.constant 4 : i32
      %add3A_255 = arith.addi %mul3A_253, %add3A_254 : i32
      %mul3A_256 = arith.constant 16 : i32
      %mul3A_257 = arith.muli %add3A_255, %mul3A_256 : i32
      %get3A_258 = arith.index_cast %mul3A_257 : i32 to index
      %get3A_259 = tpu.vector_load %arg5[%get3A_258] {strides = array<i32>} : memref<12288xi32, #tpu.memory_space<vmem>>, vector<16xi32>,
      %mul3A_260 = arith.constant 8 : i32
      %mul3A_261 = arith.muli %scan3A_219, %mul3A_260 : i32
      %add3A_262 = arith.constant 5 : i32
      %add3A_263 = arith.addi %mul3A_261, %add3A_262 : i32
      %mul3A_264 = arith.constant 16 : i32
      %mul3A_265 = arith.muli %add3A_263, %mul3A_264 : i32
      %get3A_266 = arith.index_cast %mul3A_265 : i32 to index
      %get3A_267 = tpu.vector_load %arg5[%get3A_266] {strides = array<i32>} : memref<12288xi32, #tpu.memory_space<vmem>>, vector<16xi32>,
      %mul3A_268 = arith.constant 8 : i32
      %mul3A_269 = arith.muli %scan3A_219, %mul3A_268 : i32
      %add3A_270 = arith.constant 6 : i32
      %add3A_271 = arith.addi %mul3A_269, %add3A_270 : i32
      %mul3A_272 = arith.constant 16 : i32
      %mul3A_273 = arith.muli %add3A_271, %mul3A_272 : i32
      %get3A_274 = arith.index_cast %mul3A_273 : i32 to index
      %get3A_275 = tpu.vector_load %arg5[%get3A_274] {strides = array<i32>} : memref<12288xi32, #tpu.memory_space<vmem>>, vector<16xi32>,
      %mul3A_276 = arith.constant 8 : i32
      %mul3A_277 = arith.muli %scan3A_219, %mul3A_276 : i32
      %add3A_278 = arith.constant 7 : i32
      %add3A_279 = arith.addi %mul3A_277, %add3A_278 : i32
      %mul3A_280 = arith.constant 16 : i32
      %mul3A_281 = arith.muli %add3A_279, %mul3A_280 : i32
      %get3A_282 = arith.index_cast %mul3A_281 : i32 to index
      %get3A_283 = tpu.vector_load %arg5[%get3A_282] {strides = array<i32>} : memref<12288xi32, #tpu.memory_space<vmem>>, vector<16xi32>,
      %shift_right_arithmetic3A_284 = arith.constant 31 : i32
      %shift_right_arithmetic3A_285 = vector.broadcast %shift_right_arithmetic3A_284 : i32 to vector<16xi32>
      %shift_right_arithmetic3A_286 = arith.shrsi %get3A_227, %shift_right_arithmetic3A_285 : vector<16xi32>
      %or3A_287 = arith.constant -2147483648 : i32
      %or3A_288 = vector.broadcast %or3A_287 : i32 to vector<16xi32>
      %or3A_289 = arith.ori %shift_right_arithmetic3A_286, %or3A_288 : vector<16xi32>
      %xor3A_290 = arith.xori %get3A_227, %or3A_289 : vector<16xi32>
      %shift_right_logical3A_291 = arith.constant 16 : i32
      %shift_right_logical3A_292 = vector.broadcast %shift_right_logical3A_291 : i32 to vector<16xi32>
      %shift_right_logical3A_293 = arith.shrui %xor3A_290, %shift_right_logical3A_292 : vector<16xi32>
      %and3A_294 = arith.constant 65520 : i32
      %and3A_295 = vector.broadcast %and3A_294 : i32 to vector<16xi32>
      %and3A_296 = arith.andi %shift_right_logical3A_293, %and3A_295 : vector<16xi32>
      %or3A_297 = arith.ori %and3A_296, %iota3A : vector<16xi32>
      %shift_right_arithmetic3A_298 = arith.constant 31 : i32
      %shift_right_arithmetic3A_299 = vector.broadcast %shift_right_arithmetic3A_298 : i32 to vector<16xi32>
      %shift_right_arithmetic3A_300 = arith.shrsi %get3A_235, %shift_right_arithmetic3A_299 : vector<16xi32>
      %or3A_301 = arith.constant -2147483648 : i32
      %or3A_302 = vector.broadcast %or3A_301 : i32 to vector<16xi32>
      %or3A_303 = arith.ori %shift_right_arithmetic3A_300, %or3A_302 : vector<16xi32>
      %xor3A_304 = arith.xori %get3A_235, %or3A_303 : vector<16xi32>
      %shift_right_logical3A_305 = arith.constant 16 : i32
      %shift_right_logical3A_306 = vector.broadcast %shift_right_logical3A_305 : i32 to vector<16xi32>
      %shift_right_logical3A_307 = arith.shrui %xor3A_304, %shift_right_logical3A_306 : vector<16xi32>
      %and3A_308 = arith.constant 65520 : i32
      %and3A_309 = vector.broadcast %and3A_308 : i32 to vector<16xi32>
      %and3A_310 = arith.andi %shift_right_logical3A_307, %and3A_309 : vector<16xi32>
      %or3A_311 = arith.ori %and3A_310, %iota3A : vector<16xi32>
      %shift_right_arithmetic3A_312 = arith.constant 31 : i32
      %shift_right_arithmetic3A_313 = vector.broadcast %shift_right_arithmetic3A_312 : i32 to vector<16xi32>
      %shift_right_arithmetic3A_314 = arith.shrsi %get3A_243, %shift_right_arithmetic3A_313 : vector<16xi32>
      %or3A_315 = arith.constant -2147483648 : i32
      %or3A_316 = vector.broadcast %or3A_315 : i32 to vector<16xi32>
      %or3A_317 = arith.ori %shift_right_arithmetic3A_314, %or3A_316 : vector<16xi32>
      %xor3A_318 = arith.xori %get3A_243, %or3A_317 : vector<16xi32>
      %shift_right_logical3A_319 = arith.constant 16 : i32
      %shift_right_logical3A_320 = vector.broadcast %shift_right_logical3A_319 : i32 to vector<16xi32>
      %shift_right_logical3A_321 = arith.shrui %xor3A_318, %shift_right_logical3A_320 : vector<16xi32>
      %and3A_322 = arith.constant 65520 : i32
      %and3A_323 = vector.broadcast %and3A_322 : i32 to vector<16xi32>
      %and3A_324 = arith.andi %shift_right_logical3A_321, %and3A_323 : vector<16xi32>
      %or3A_325 = arith.ori %and3A_324, %iota3A : vector<16xi32>
      %shift_right_arithmetic3A_326 = arith.constant 31 : i32
      %shift_right_arithmetic3A_327 = vector.broadcast %shift_right_arithmetic3A_326 : i32 to vector<16xi32>
      %shift_right_arithmetic3A_328 = arith.shrsi %get3A_251, %shift_right_arithmetic3A_327 : vector<16xi32>
      %or3A_329 = arith.constant -2147483648 : i32
      %or3A_330 = vector.broadcast %or3A_329 : i32 to vector<16xi32>
      %or3A_331 = arith.ori %shift_right_arithmetic3A_328, %or3A_330 : vector<16xi32>
      %xor3A_332 = arith.xori %get3A_251, %or3A_331 : vector<16xi32>
      %shift_right_logical3A_333 = arith.constant 16 : i32
      %shift_right_logical3A_334 = vector.broadcast %shift_right_logical3A_333 : i32 to vector<16xi32>
      %shift_right_logical3A_335 = arith.shrui %xor3A_332, %shift_right_logical3A_334 : vector<16xi32>
      %and3A_336 = arith.constant 65520 : i32
      %and3A_337 = vector.broadcast %and3A_336 : i32 to vector<16xi32>
      %and3A_338 = arith.andi %shift_right_logical3A_335, %and3A_337 : vector<16xi32>
      %or3A_339 = arith.ori %and3A_338, %iota3A : vector<16xi32>
      %shift_right_arithmetic3A_340 = arith.constant 31 : i32
      %shift_right_arithmetic3A_341 = vector.broadcast %shift_right_arithmetic3A_340 : i32 to vector<16xi32>
      %shift_right_arithmetic3A_342 = arith.shrsi %get3A_259, %shift_right_arithmetic3A_341 : vector<16xi32>
      %or3A_343 = arith.constant -2147483648 : i32
      %or3A_344 = vector.broadcast %or3A_343 : i32 to vector<16xi32>
      %or3A_345 = arith.ori %shift_right_arithmetic3A_342, %or3A_344 : vector<16xi32>
      %xor3A_346 = arith.xori %get3A_259, %or3A_345 : vector<16xi32>
      %shift_right_logical3A_347 = arith.constant 16 : i32
      %shift_right_logical3A_348 = vector.broadcast %shift_right_logical3A_347 : i32 to vector<16xi32>
      %shift_right_logical3A_349 = arith.shrui %xor3A_346, %shift_right_logical3A_348 : vector<16xi32>
      %and3A_350 = arith.constant 65520 : i32
      %and3A_351 = vector.broadcast %and3A_350 : i32 to vector<16xi32>
      %and3A_352 = arith.andi %shift_right_logical3A_349, %and3A_351 : vector<16xi32>
      %or3A_353 = arith.ori %and3A_352, %iota3A : vector<16xi32>
      %shift_right_arithmetic3A_354 = arith.constant 31 : i32
      %shift_right_arithmetic3A_355 = vector.broadcast %shift_right_arithmetic3A_354 : i32 to vector<16xi32>
      %shift_right_arithmetic3A_356 = arith.shrsi %get3A_267, %shift_right_arithmetic3A_355 : vector<16xi32>
      %or3A_357 = arith.constant -2147483648 : i32
      %or3A_358 = vector.broadcast %or3A_357 : i32 to vector<16xi32>
      %or3A_359 = arith.ori %shift_right_arithmetic3A_356, %or3A_358 : vector<16xi32>
      %xor3A_360 = arith.xori %get3A_267, %or3A_359 : vector<16xi32>
      %shift_right_logical3A_361 = arith.constant 16 : i32
      %shift_right_logical3A_362 = vector.broadcast %shift_right_logical3A_361 : i32 to vector<16xi32>
      %shift_right_logical3A_363 = arith.shrui %xor3A_360, %shift_right_logical3A_362 : vector<16xi32>
      %and3A_364 = arith.constant 65520 : i32
      %and3A_365 = vector.broadcast %and3A_364 : i32 to vector<16xi32>
      %and3A_366 = arith.andi %shift_right_logical3A_363, %and3A_365 : vector<16xi32>
      %or3A_367 = arith.ori %and3A_366, %iota3A : vector<16xi32>
      %shift_right_arithmetic3A_368 = arith.constant 31 : i32
      %shift_right_arithmetic3A_369 = vector.broadcast %shift_right_arithmetic3A_368 : i32 to vector<16xi32>
      %shift_right_arithmetic3A_370 = arith.shrsi %get3A_275, %shift_right_arithmetic3A_369 : vector<16xi32>
      %or3A_371 = arith.constant -2147483648 : i32
      %or3A_372 = vector.broadcast %or3A_371 : i32 to vector<16xi32>
      %or3A_373 = arith.ori %shift_right_arithmetic3A_370, %or3A_372 : vector<16xi32>
      %xor3A_374 = arith.xori %get3A_275, %or3A_373 : vector<16xi32>
      %shift_right_logical3A_375 = arith.constant 16 : i32
      %shift_right_logical3A_376 = vector.broadcast %shift_right_logical3A_375 : i32 to vector<16xi32>
      %shift_right_logical3A_377 = arith.shrui %xor3A_374, %shift_right_logical3A_376 : vector<16xi32>
      %and3A_378 = arith.constant 65520 : i32
      %and3A_379 = vector.broadcast %and3A_378 : i32 to vector<16xi32>
      %and3A_380 = arith.andi %shift_right_logical3A_377, %and3A_379 : vector<16xi32>
      %or3A_381 = arith.ori %and3A_380, %iota3A : vector<16xi32>
      %shift_right_arithmetic3A_382 = arith.constant 31 : i32
      %shift_right_arithmetic3A_383 = vector.broadcast %shift_right_arithmetic3A_382 : i32 to vector<16xi32>
      %shift_right_arithmetic3A_384 = arith.shrsi %get3A_283, %shift_right_arithmetic3A_383 : vector<16xi32>
      %or3A_385 = arith.constant -2147483648 : i32
      %or3A_386 = vector.broadcast %or3A_385 : i32 to vector<16xi32>
      %or3A_387 = arith.ori %shift_right_arithmetic3A_384, %or3A_386 : vector<16xi32>
      %xor3A_388 = arith.xori %get3A_283, %or3A_387 : vector<16xi32>
      %shift_right_logical3A_389 = arith.constant 16 : i32
      %shift_right_logical3A_390 = vector.broadcast %shift_right_logical3A_389 : i32 to vector<16xi32>
      %shift_right_logical3A_391 = arith.shrui %xor3A_388, %shift_right_logical3A_390 : vector<16xi32>
      %and3A_392 = arith.constant 65520 : i32
      %and3A_393 = vector.broadcast %and3A_392 : i32 to vector<16xi32>
      %and3A_394 = arith.andi %shift_right_logical3A_391, %and3A_393 : vector<16xi32>
      %or3A_395 = arith.ori %and3A_394, %iota3A : vector<16xi32>
      tpu.vector_store_idx %arg6[%or3A_297], %broadcast_in_dim3A_3 {add = true} : memref<65536xi32, #tpu.memory_space<vmem>>[vector<16xi32>], vector<16xi32>,
      tpu.vector_store_idx %arg6[%or3A_311], %broadcast_in_dim3A_3 {add = true} : memref<65536xi32, #tpu.memory_space<vmem>>[vector<16xi32>], vector<16xi32>,
      tpu.vector_store_idx %arg6[%or3A_325], %broadcast_in_dim3A_3 {add = true} : memref<65536xi32, #tpu.memory_space<vmem>>[vector<16xi32>], vector<16xi32>,
      tpu.vector_store_idx %arg6[%or3A_339], %broadcast_in_dim3A_3 {add = true} : memref<65536xi32, #tpu.memory_space<vmem>>[vector<16xi32>], vector<16xi32>,
      tpu.vector_store_idx %arg6[%or3A_353], %broadcast_in_dim3A_3 {add = true} : memref<65536xi32, #tpu.memory_space<vmem>>[vector<16xi32>], vector<16xi32>,
      tpu.vector_store_idx %arg6[%or3A_367], %broadcast_in_dim3A_3 {add = true} : memref<65536xi32, #tpu.memory_space<vmem>>[vector<16xi32>], vector<16xi32>,
      tpu.vector_store_idx %arg6[%or3A_381], %broadcast_in_dim3A_3 {add = true} : memref<65536xi32, #tpu.memory_space<vmem>>[vector<16xi32>], vector<16xi32>,
      tpu.vector_store_idx %arg6[%or3A_395], %broadcast_in_dim3A_3 {add = true} : memref<65536xi32, #tpu.memory_space<vmem>>[vector<16xi32>], vector<16xi32>,
      %scan3A_396 = arith.constant 0 : i32
      scf.yield %scan3A_396 : i32
    }
    %scan3A_44 = arith.constant 96 : i32
    "tpu.region"() ({
      %run_scoped3A = tpu.sem_alloc : memref<!tpu.dma_semaphore, #tpu.memory_space<semaphore_mem>>
      %dma_start3A_45 = arith.constant 0 : i32
      %dma_start3A_46 = tpu.memref_slice %arg3[%add3A, %dma_start3A_45] : memref<32x65536xi32, #tpu.memory_space<hbm>> -> memref<1x65536xi32, #tpu.memory_space<hbm>>
      %dma_start3A_47 = tpu.memref_squeeze %dma_start3A_46 : memref<1x65536xi32, #tpu.memory_space<hbm>> -> memref<65536xi32, #tpu.memory_space<hbm>>
      %dma_start3A_48 = arith.constant 0 : i32
      %dma_start3A_49 = tpu.memref_slice %arg3[%add3A, %dma_start3A_48] : memref<32x65536xi32, #tpu.memory_space<hbm>> -> memref<1x65536xi32, #tpu.memory_space<hbm>>
      %dma_start3A_50 = tpu.memref_squeeze %dma_start3A_49 : memref<1x65536xi32, #tpu.memory_space<hbm>> -> memref<65536xi32, #tpu.memory_space<hbm>>
      tpu.enqueue_dma source(%arg6 : memref<65536xi32, #tpu.memory_space<vmem>>) target(%dma_start3A_50 : memref<65536xi32, #tpu.memory_space<hbm>>) target_semaphore(%run_scoped3A : memref<!tpu.dma_semaphore, #tpu.memory_space<semaphore_mem>>)
      %dma_wait3A_51 = arith.constant 0 : i32
      %dma_wait3A_52 = tpu.memref_slice %arg3[%add3A, %dma_wait3A_51] : memref<32x65536xi32, #tpu.memory_space<hbm>> -> memref<1x65536xi32, #tpu.memory_space<hbm>>
      %dma_wait3A_53 = tpu.memref_squeeze %dma_wait3A_52 : memref<1x65536xi32, #tpu.memory_space<hbm>> -> memref<65536xi32, #tpu.memory_space<hbm>>
      %dma_wait3A_54 = arith.constant 0 : i32
      %dma_wait3A_55 = tpu.memref_slice %arg3[%add3A, %dma_wait3A_54] : memref<32x65536xi32, #tpu.memory_space<hbm>> -> memref<1x65536xi32, #tpu.memory_space<hbm>>
      %dma_wait3A_56 = tpu.memref_squeeze %dma_wait3A_55 : memref<1x65536xi32, #tpu.memory_space<hbm>> -> memref<65536xi32, #tpu.memory_space<hbm>>
      tpu.wait_dma2 semaphore(%run_scoped3A : memref<!tpu.dma_semaphore, #tpu.memory_space<semaphore_mem>>) src(%arg6 : memref<65536xi32, #tpu.memory_space<vmem>>) dst(%dma_wait3A_56 : memref<65536xi32, #tpu.memory_space<hbm>>)
      tpu.yield
    }) : () -> ()
    return
  }
}

module attributes {stable_mosaic.version = 14 : i64} {
  func.func @_kwta_row_kernel(%arg0: i32, %arg1: memref<8x37632x128xf32, #tpu.memory_space<any>>, %arg2: memref<8xi32, #tpu.memory_space<smem>>, %arg3: memref<8x37632x128xf32, #tpu.memory_space<any>>, %arg4: memref<37632x128xf32, #tpu.memory_space<vmem>>, %arg5: memref<37632x128xi32, #tpu.memory_space<vmem>>, %arg6: memref<!tpu.dma_semaphore, #tpu.memory_space<semaphore_mem>>, %arg7: memref<!tpu.dma_semaphore, #tpu.memory_space<semaphore_mem>>) attributes {dimension_semantics = [#tpu.dimension_semantics<arbitrary>], iteration_bounds = array<i64: 8>, scalar_prefetch = 0 : i64, scratch_operands = 4 : i64, tpu.core_type = #tpu.core_type<tc>, window_params = [{}, {transform_indices = @transform_1, window_bounds = array<i64: 8>}, {}]} {
    %dma_start3A = arith.constant 0 : i32
    %dma_start3A_0 = arith.constant 0 : i32
    %dma_start3A_1 = tpu.memref_slice %arg1[%arg0, %dma_start3A, %dma_start3A_0] : memref<8x37632x128xf32, #tpu.memory_space<any>> -> memref<1x37632x128xf32, #tpu.memory_space<any>>
    %dma_start3A_2 = tpu.memref_squeeze %dma_start3A_1 : memref<1x37632x128xf32, #tpu.memory_space<any>> -> memref<37632x128xf32, #tpu.memory_space<any>>
    tpu.enqueue_dma source(%dma_start3A_2 : memref<37632x128xf32, #tpu.memory_space<any>>) target(%arg4 : memref<37632x128xf32, #tpu.memory_space<vmem>>) target_semaphore(%arg6 : memref<!tpu.dma_semaphore, #tpu.memory_space<semaphore_mem>>)
    %dma_wait3A = arith.constant 0 : i32
    %dma_wait3A_3 = arith.constant 0 : i32
    %dma_wait3A_4 = tpu.memref_slice %arg1[%arg0, %dma_wait3A, %dma_wait3A_3] : memref<8x37632x128xf32, #tpu.memory_space<any>> -> memref<1x37632x128xf32, #tpu.memory_space<any>>
    %dma_wait3A_5 = tpu.memref_squeeze %dma_wait3A_4 : memref<1x37632x128xf32, #tpu.memory_space<any>> -> memref<37632x128xf32, #tpu.memory_space<any>>
    tpu.wait_dma2 semaphore(%arg6 : memref<!tpu.dma_semaphore, #tpu.memory_space<semaphore_mem>>) src(%dma_wait3A_5 : memref<37632x128xf32, #tpu.memory_space<any>>) dst(%arg4 : memref<37632x128xf32, #tpu.memory_space<vmem>>)
    %get3A = arith.constant 0 : index
    %get3A_6 = arith.constant 0 : index
    %get3A_7 = vector.load %arg4[%get3A, %get3A_6] : memref<37632x128xf32, #tpu.memory_space<vmem>>, vector<37632x128xf32>
    %bitcast3A = tpu.bitcast %get3A_7 : vector<37632x128xf32> -> vector<37632x128xi32>
    %shift_right_arithmetic3A = arith.constant 31 : i32
    %shift_right_arithmetic3A_8 = vector.broadcast %shift_right_arithmetic3A : i32 to vector<37632x128xi32>
    %shift_right_arithmetic3A_9 = arith.shrsi %bitcast3A, %shift_right_arithmetic3A_8 : vector<37632x128xi32>
    %and3A = arith.constant 2147483647 : i32
    %and3A_10 = vector.broadcast %and3A : i32 to vector<37632x128xi32>
    %and3A_11 = arith.andi %shift_right_arithmetic3A_9, %and3A_10 : vector<37632x128xi32>
    %xor3A = arith.xori %bitcast3A, %and3A_11 : vector<37632x128xi32>
    %swap3A = arith.constant 0 : index
    %swap3A_12 = arith.constant 0 : index
    %swap3A_13 = vector.load %arg5[%swap3A, %swap3A_12] : memref<37632x128xi32, #tpu.memory_space<vmem>>, vector<37632x128xi32>
    tpu.vector_store %arg5[%swap3A, %swap3A_12], %xor3A {strides = array<i32>} : memref<37632x128xi32, #tpu.memory_space<vmem>>, vector<37632x128xi32>,
    %get3A_14 = arith.index_cast %arg0 : i32 to index
    %get3A_15 = memref.load %arg2[%get3A_14] : memref<8xi32, #tpu.memory_space<smem>>
    %broadcast_in_dim3A = vector.broadcast %get3A_15 : i32 to vector<1x128xi32>
    %scan3A = arith.constant 32 : i32
    %scan3A_16 = arith.constant 0 : i32
    %scan3A_17 = arith.addi %scan3A, %scan3A_16 : i32
    %scan3A_18 = arith.constant 0 : i32
    %xor3A_19 = arith.constant -2147483648 : i32
    %xor3A_20 = vector.broadcast %xor3A_19 : i32 to vector<1x128xi32>
    %xor3A_21 = arith.xori %broadcast_in_dim3A, %xor3A_20 : vector<1x128xi32>
    %shift_right_arithmetic3A_22 = arith.constant 31 : i32
    %shift_right_arithmetic3A_23 = vector.broadcast %shift_right_arithmetic3A_22 : i32 to vector<1x128xi32>
    %shift_right_arithmetic3A_24 = arith.shrsi %xor3A_21, %shift_right_arithmetic3A_23 : vector<1x128xi32>
    %and3A_25 = arith.constant 2147483647 : i32
    %and3A_26 = vector.broadcast %and3A_25 : i32 to vector<1x128xi32>
    %and3A_27 = arith.andi %shift_right_arithmetic3A_24, %and3A_26 : vector<1x128xi32>
    %xor3A_28 = arith.xori %xor3A_21, %and3A_27 : vector<1x128xi32>
    %bitcast3A_29 = tpu.bitcast %xor3A_28 : vector<1x128xi32> -> vector<1x128xf32>
    %ge3A = vector.broadcast %bitcast3A_29 : vector<1x128xf32> to vector<37632x128xf32>
    %ge3A_30 = arith.cmpf oge, %get3A_7, %ge3A : vector<37632x128xf32>
    %jit3A = arith.constant 0.000000e+00 : f32
    %broadcast_in_dim3A_31 = vector.broadcast %jit3A : f32 to vector<37632x128xf32>
    %select_n3A = arith.select %ge3A_30, %get3A_7, %broadcast_in_dim3A_31 : vector<37632x128xi1>, vector<37632x128xf32>
    %swap3A_32 = arith.constant 0 : index
    %swap3A_33 = arith.constant 0 : index
    %swap3A_34 = vector.load %arg4[%swap3A_32, %swap3A_33] : memref<37632x128xf32, #tpu.memory_space<vmem>>, vector<37632x128xf32>
    tpu.vector_store %arg4[%swap3A_32, %swap3A_33], %select_n3A {strides = array<i32>} : memref<37632x128xf32, #tpu.memory_space<vmem>>, vector<37632x128xf32>,
    %dma_start3A_35 = arith.constant 0 : i32
    %dma_start3A_36 = arith.constant 0 : i32
    %dma_start3A_37 = tpu.memref_slice %arg3[%arg0, %dma_start3A_35, %dma_start3A_36] : memref<8x37632x128xf32, #tpu.memory_space<any>> -> memref<1x37632x128xf32, #tpu.memory_space<any>>
    %dma_start3A_38 = tpu.memref_squeeze %dma_start3A_37 : memref<1x37632x128xf32, #tpu.memory_space<any>> -> memref<37632x128xf32, #tpu.memory_space<any>>
    tpu.enqueue_dma source(%arg4 : memref<37632x128xf32, #tpu.memory_space<vmem>>) target(%dma_start3A_38 : memref<37632x128xf32, #tpu.memory_space<any>>) target_semaphore(%arg7 : memref<!tpu.dma_semaphore, #tpu.memory_space<semaphore_mem>>)
    %dma_wait3A_39 = arith.constant 0 : i32
    %dma_wait3A_40 = arith.constant 0 : i32
    %dma_wait3A_41 = tpu.memref_slice %arg3[%arg0, %dma_wait3A_39, %dma_wait3A_40] : memref<8x37632x128xf32, #tpu.memory_space<any>> -> memref<1x37632x128xf32, #tpu.memory_space<any>>
    %dma_wait3A_42 = tpu.memref_squeeze %dma_wait3A_41 : memref<1x37632x128xf32, #tpu.memory_space<any>> -> memref<37632x128xf32, #tpu.memory_space<any>>
    tpu.wait_dma2 semaphore(%arg7 : memref<!tpu.dma_semaphore, #tpu.memory_space<semaphore_mem>>) src(%arg4 : memref<37632x128xf32, #tpu.memory_space<vmem>>) dst(%dma_wait3A_42 : memref<37632x128xf32, #tpu.memory_space<any>>)
    return
  }
  func.func @transform_1(%arg0: i32) -> i32 {
    %c0_i32 = arith.constant 0 : i32
    %c0_i32_0 = arith.constant 0 : i32
    return %c0_i32 : i32
  }
}

</mosaic_0001>

<sc_bundles>
// kernel: kernel.4.cloned.1.call-start
scs
__scs_entry_jumppad:
0x0: {  	(pc) =	sbr.rel $0x88, $3  }
0x1: {  	(tag) =	ssettag $0x0;
	lr =	simm.s32 $0x1  }
0x2: {  	[smem:$0x3FA0] =	sst lr;
	_ =	strace $0xD0000000  }
0x3: {  	_ = 	snop  }
0x4: {  	_ = 	snop  }
0x5: {  	_ = 	snop  }
0x6: {  	_ = 	snop  }
0x7: {  	_ = 	snop  }
__scs_overlays_trampoline_lowered:
0x8: {  	[smem:$0x3FAF] =	sst s0  }
0x9: {  	[smem:$0x3FB0] =	sst s1  }
0xa: {  	[smem:$0x3FB1] =	sst s2  }
0xb: {  	[smem:$0x3FB2] =	sst s3  }
0xc: {  	[smem:$0x3FB3] =	sst s4  }
0xd: {  	[smem:$0x3FB4] =	sst s5  }
0xe: {  	[smem:$0x3FB5] =	sst s6  }
0xf: {  	[smem:$0x3FB6] =	sst s7  }
0x10: {  	[smem:$0x3FB7] =	sst s8  }
0x11: {  	[smem:$0x3FB8] =	sst s9;
	s0 =	simm.s32 @!p0 $0x0  }
0x12: {  	s1 =	sld [smem:$0x3F9E];
	s0 =	simm.s32 @p0 $0x1  }
0x13: {  	[smem:$0x3FB9] =	sst s0;
	s0 =	simm.s32 @!p1 $0x0  }
0x14: {  	s2 =	sld [smem:$0x3F9D];
	s0 =	simm.s32 @p1 $0x1  }
0x15: {  	[smem:$0x3FBA] =	sst s0;
	s0 =	simm.s32 @!p2 $0x0  }
0x16: {  	s3 =	sld [smem:$0x3FDB];
	s0 =	simm.s32 @p2 $0x1  }
0x17: {  	s4 =	simm.s32 $0x1BF5;
	[smem:$0x3FBC] =	sst s0  }
0x18: {  	s0 =	sld [smem:$0x3F9F];
	_ =	swait.ge [sflag:s4], $0x0  }
0x19: {  	s7 =	sld [smem:$0x3FA0]  }
0x1a: {  	s8 =	sadd.s32 $0xFFFFE003, lr  }
0x1b: {  	s9 =	sadd.s32 $0xFFFFFEF7, lr;
	s5 =	simm.s32 $0xFFFFFFFF;
	p2 =	slt.u32 s8, $0xFFFFF086  }
0x1c: {  	p1 =	slt.u32 s9, $0xF7A;
	s5 =	simm.s32 @!p2 $0x0  }
0x1d: {  	s5 =	simm.s32 @p1 $0x1;
	p0 =	seq.s32 s7, s2  }
0x1e: {  	s7 =	smul.u32 @!p0 $0xF7A, s2;
	p2 =	seq.s32 @!p0 s5, $0x0  }
0x1f: {  	s9 =	smul.u32 $0xF7A, s1;
	s8 =	simm.s32 @!p0 $0x1BF5;
	p2 =	por !p2, p0  }
0x20: {  	[sflag:s8] =	ssyncset.s32 @!p0 $0xFFFFF086;
	s6 =	sadd.s32 @!p0 s3, s7;
	s7 =	simm.s32 @!p0 $0x108  }
0x21: {  	s3 =	sadd.s32 s3, s9;
	s6 =	sadd.s32 @!p0 $0x88, s6;
	s7 =	simm.s32 @p2 $0x1082  }
0x22: {  	[simem:s7], [sflag:s8] =	dma.local @!p0 [hbm:s6], $0xF7A  }
0x23: {  	s9 =	sor.u32 $0xD0000000, s2;
	s6 =	simm.s32 $0x108;
	_ =	swait.ge @!p0 [sflag:s8], $0x0  }
0x24: {  	s3 =	sadd.s32 $0x88, s3;
	s6 =	simm.s32 @!p1 $0x1082;
	[sflag:s4] =	ssyncset.s32 $0xFFFFF086  }
0x25: {  	[simem:s6], [sflag:s4] =	dma.local [hbm:s3], $0xF7A  }
0x26: {  	[smem:$0x3FA0] =	sst s1;
	(tag) =	ssettag s2;
	_ =	strace s9  }
0x27: {  	s1 =	sld [smem:$0x3FB0]  }
0x28: {  	s2 =	sld [smem:$0x3FB1]  }
0x29: {  	s4 =	sld [smem:$0x3FB3]  }
0x2a: {  	p0 =	seq.s32 s5, $0x0;
	s5 =	sld [smem:$0x3FB4]  }
0x2b: {  	s6 =	sld [smem:$0x3FB5]  }
0x2c: {  	s7 =	sld [smem:$0x3FB6]  }
0x2d: {  	s3 =	simm.s32 $0x108;
	s8 =	sld [smem:$0x3FB7]  }
0x2e: {  	s3 =	simm.s32 @!p0 $0x1082;
	s9 =	sld [smem:$0x3FB8]  }
0x2f: {  	lr =	sadd.s32 s0, s3;
	s0 =	sld [smem:$0x3FAF]  }
0x30: {  	s3 =	sld [smem:$0x3FB2]  }
0x31: {  	[smem:$0x3FBB] =	sst s10  }
0x32: {  	s10 =	sld [smem:$0x3FB9];
	_ =	sdelay $0x3  }
0x33: {  	p0 =	seq.s32 s10, $0x1;
	s10 =	sld [smem:$0x3FBB];
	_ =	sdelay $0x3  }
0x34: {  	[smem:$0x3FBB] =	sst s10  }
0x35: {  	s10 =	sld [smem:$0x3FBA];
	_ =	sdelay $0x3  }
0x36: {  	p1 =	seq.s32 s10, $0x1;
	s10 =	sld [smem:$0x3FBB];
	_ =	sdelay $0x3  }
0x37: {  	[smem:$0x3FBB] =	sst s10  }
0x38: {  	s10 =	sld [smem:$0x3FBC]  }
0x39: {  	_ = 	snop;
	(pc) =	sbr.ind lr, $3  }
0x3a: {  	_ = 	snop  }
0x3b: {  	_ = 	snop  }
0x3c: {  	p2 =	seq.s32 s10, $0x1;
	s10 =	sld [smem:$0x3FBB]  }
0x3d: {  	_ =	shalt  }
0x3e: {  	_ =	shalt  }
0x3f: {  	_ =	shalt  }
0x40: {  	_ =	shalt  }
0x41: {  	_ =	shalt  }
0x42: {  	_ =	shalt  }
0x43: {  	_ =	shalt  }
0x44: {  	_ =	shalt  }
0x45: {  	_ =	shalt  }
0x46: {  	_ =	shalt  }
0x47: {  	_ =	shalt  }
0x48: {  	_ =	shalt  }
0x49: {  	_ =	shalt  }
0x4a: {  	_ =	shalt  }
0x4b: {  	_ =	shalt  }
0x4c: {  	_ =	shalt  }
0x4d: {  	_ =	shalt  }
0x4e: {  	_ =	shalt  }
0x4f: {  	_ =	shalt  }
0x50: {  	_ =	shalt  }
0x51: {  	_ =	shalt  }
0x52: {  	_ =	shalt  }
0x53: {  	_ =	shalt  }
0x54: {  	_ =	shalt  }
0x55: {  	_ =	shalt  }
0x56: {  	_ =	shalt  }
0x57: {  	_ =	shalt  }
0x58: {  	_ =	shalt  }
0x59: {  	_ =	shalt  }
0x5a: {  	_ =	shalt  }
0x5b: {  	_ =	shalt  }
0x5c: {  	_ =	shalt  }
0x5d: {  	_ =	shalt  }
0x5e: {  	_ =	shalt  }
0x5f: {  	_ =	shalt  }
0x60: {  	_ =	shalt  }
0x61: {  	_ =	shalt  }
0x62: {  	_ =	shalt  }
0x63: {  	_ =	shalt  }
0x64: {  	_ =	shalt  }
0x65: {  	_ =	shalt  }
0x66: {  	_ =	shalt  }
0x67: {  	_ =	shalt  }
0x68: {  	_ =	shalt  }
0x69: {  	_ =	shalt  }
0x6a: {  	_ =	shalt  }
0x6b: {  	_ =	shalt  }
0x6c: {  	_ =	shalt  }
0x6d: {  	_ =	shalt  }
0x6e: {  	_ =	shalt  }
0x6f: {  	_ =	shalt  }
0x70: {  	_ =	shalt  }
0x71: {  	_ =	shalt  }
0x72: {  	_ =	shalt  }
0x73: {  	_ =	shalt  }
0x74: {  	_ =	shalt  }
0x75: {  	_ =	shalt  }
0x76: {  	_ =	shalt  }
0x77: {  	_ =	shalt  }
0x78: {  	_ =	shalt  }
0x79: {  	_ =	shalt  }
0x7a: {  	_ =	shalt  }
0x7b: {  	_ =	shalt  }
0x7c: {  	_ =	shalt  }
0x7d: {  	_ =	shalt  }
0x7e: {  	_ =	shalt  }
0x7f: {  	_ =	shalt  }
0x80: {  	_ =	shalt  }
0x81: {  	_ =	shalt  }
0x82: {  	_ =	shalt  }
0x83: {  	_ =	shalt  }
0x84: {  	_ =	shalt  }
0x85: {  	_ =	shalt  }
0x86: {  	_ =	shalt  }
0x87: {  	_ =	shalt  }
.Lfunc_end0:
.L_simem_size_0:
called_computation_lowered:
.L_overlay_start_0:
0x88: {  	s2 =	sld [smem:$0x3FD9]  }
0x89: {  	s3 =	sld [smem:$0x3FFE];
	_ =	sdelay $0x1  }
0x8a: {  	s1 =	srdreg.scid  }
0x8b: {  	s0 =	sand.u32 $0x1, s1  }
0x8c: {  	s16 =	sshll.u32 s0, $0xA;
	s2 =	sadd.s32 s3, s2  }
0x8d: {  	s2 =	sadd.s32 s2, s16  }
0x8e: {  	[smem:$0x3FC7] =	sst s2  }
0x8f: {  	_ = 	snop  }
0x90: {  	(tm) =	ssettm $0x1  }
0x91: {  	s17 =	sld [smem:$0x3FFB];
	_ =	sdelay $0x3  }
0x92: {  	_ =	strace s17  }
0x93: {  	s2 =	sld [smem:$0x3FFC];
	_ =	sdelay $0x3  }
0x94: {  	_ =	strace s2  }
0x95: {  	s2 =	sld [smem:$0x3FFD];
	_ =	sdelay $0x3  }
0x96: {  	_ =	strace s2  }
0x97: {  	_ =	strace $0x8FFFFFFF  }
0x98: {  	s18 =	sld [smem:$0x3FDB];
	_ =	sdelay $0x1  }
0x99: {  	s19 =	simm.s32 $_scs_section_size  }
0x9a: {  	s4 =	simm.s32 $_size__tile_overlayer_lowered;
	s5 =	simm.s32 $_tile_overlayer_lowered  }
0x9b: {  	s22 =	simm.s32 $0x1BFF;
	s21 =	sshll.u32 s5, $0x1;
	s2 =	sadd.s32 s19, s18  }
0x9c: {  	s6 =	simm.s32 $0x0;
	s20 =	sshll.u32 s4, $0x1;
	s4 =	sadd.s32 s21, s2  }
0x9d: {  	[timem:s6], [sflag:s22] =	dma.local [hbm:s4], s20  }
0x9e: {  	_ =	swait.ge [sflag:s22], s20  }
0x9f: {  	s3 =	ssub.s32 $0x0, s20;
	[sflag:s22] =	ssyncset.done $0x0  }
0xa0: {  	[sflag:s22] =	ssyncadd.s32 s3;
	_ =	sdelay $0x1  }
0xa1: {  	s23 =	simm.s32 $0x1B8B  }
0xa2: {  	_ =	swait.ge [sflag:s23], $0x1  }
0xa3: {  	[sflag:s23] =	ssyncset.done $0x0  }
0xa4: {  	s25 =	simm.s32 $0x1B8E;
	s24 =	sld [smem:$0x3FFE];
	[sflag:s23] =	ssyncadd.s32 $0xFFFFFFFF  }
0xa5: {  	s26 =	simm.s32 $execute0_lowered;
	[smem:$0x3FD2] =	sst s25  }
0xa6: {  	s4 =	sshll.u32 s26, $0x1;
	_ =	strace $0x80000046;
	[dreg:$0x1] =	wrdreg $0xFFFFFFFF  }
0xa7: {  	s28 =	simm.s32 $_size_execute0_lowered;
	s2 =	sadd.s32 s2, s4;
	[dreg:$0x0] =	wrdreg $0x0  }
0xa8: {  	s4 =	sshll.u32 s28, $0x1;
	[dreg:$0x2] =	wrdreg s2  }
0xa9: {  	[dreg:$0x3] =	wrdreg s4  }
0xaa: {  	[dreg:$0x4] =	wrdreg $0xC0  }
0xab: {  	_ =	task [dreg:s6], $0x5FFFF  }
0xac: {  	[dreg:$0x1] =	wrdreg $0xFFFFFFFF  }
0xad: {  	[dreg:$0x0] =	wrdreg $0x60  }
0xae: {  	[dreg:$0x2] =	wrdreg s24  }
0xaf: {  	[dreg:$0x3] =	wrdreg $0x9  }
0xb0: {  	_ =	task.clear_ibuf [dreg:s6], $0x4FFFF;
	_ =	strace $0x90000046  }
0xb1: {  	s29 =	simm.s32 $0x9;
	_ =	strace $0x80000048  }
0xb2: {  	_ =	swait.ge [sflag:s29], $0x1  }
0xb3: {  	[sflag:s29] =	ssyncadd.s32 $0xFFFFFFFF  }
0xb4: {  	_ =	strace $0x90000048  }
0xb5: {  	_ =	sfence  }
0xb6: {  	s30 =	sld [smem:$0x0];
	_ =	sdelay $0x2  }
0xb7: {  	s31 =	sshll.u32 s1, $0xD;
	s1 =	sshrl.u32 s1, $0x2  }
0xb8: {  	s3 =	sand.u32 $0x4000, s31;
	s1 =	sadd.s32 s1, s30  }
0xb9: {  	s0 =	sor.u32 s3, s0;
	s1 =	sshll.u32 s1, $0x11  }
0xba: {  	s0 =	sor.u32 s1, s0  }
0xbb: {  	s0 =	sadd.s32 $0x8F2B, s0  }
0xbc: {  	[sflag:s0] =	ssyncadd.remote.s32 $0x1  }
0xbd: {  	_ =	sfence.sel $0xFFFF  }
0xbe: {  	[dreg:$0x0] =	wrdreg $0xFFFFFFFF;
	(pc) =	sbr.abs _section_cstart, $3  }
0xbf: {  	[dreg:$0x1] =	wrdreg $0xFFFFFFFF  }
0xc0: {  	_ =	task.clear_ibuf [dreg:s6], $0x2FFFF;
	_ =	strace $0x9FFFFFFF  }
0xc1: {  	(tm) =	ssettm $0x7FFFFFFF  }
tec
execute0_lowered:
.L_overlay_start_1:
0x0: {  	(tag) =	ssettag $0x1  }
0x1: {  	s0 =	srdreg.scid;
	s2 =	rddreg [dreg:$0x0]  }
0x2: {  	s1 =	stileid.u32;
	s3 =	simm.s32 $0x0;
	s11 =	simm.s32 $0x1  }
0x3: {  	s12 =	simm.s32 $0x6000;
	s13 =	simm.s32 $0x2;
	s14 =	simm.s32 $0x80  }
0x4: {  	s15 =	simm.s32 $0x400;
	s16 =	simm.s32 $0x3;
	s17 =	simm.s32 $0x0  }
0x5: {  	s4 =	sand.u32 $0x1, s0;
	s0 =	rddreg [dreg:$0x1];
	s6 =	sshll.u32 s1, $0x4  }
0x6: {  	[smem:$0x7FF] =	sst s3;
	s5 =	sshll.u32 s4, $0x4;
	s6 =	sand.u32 $0x70, s6  }
0x7: {  	_ =	strace $0x80000047;
	s8 =	ssub.s32 $0x2, s4;
	s5 =	sor.u32 s1, s5  }
0x8: {  	s9 =	sshrl.u32 s8, $0x1;
	s7 =	smul.u32 $0x126000, s5;
	s5 =	sshll.u32 s5, $0xD  }
0x9: {  	s6 =	sadd.s32 s6, s2;
	s9 =	ssub.s32 s8, s9;
	s10 =	sand.u32 $0x30000, s5  }
0xa: {  	s9 =	smax.u32 s9, $0x1;
	s30 =	sshrl.u32 s7, $0x3;
	s31 =	sadd.s32 s10, s6  }
0xb: {  	s6 =	sadd.s32 $0x6000, s7;
	s7 =	sadd.s32 $0x9000, s7;
	s4 =	sadd.s32 s2, s30  }
0xc: {  	v0 =	vimm.s32 $0x0;
	v1 =	vlaneseq.u32;
	v2 =	vimm.s32 $0x1;
	s10 =	simm.s32 $0x3000;
	s8 =	sadd.s32 $0x498000, s31;
	s5 =	sadd.s32 $0x600, s4  }
.LBB2_1:
0xd: {  	s18 =	simm.s32 $0x6040  }
0xe: {  	[tilespmem:s18+$0xFFFFFFC0] =	vst v0  }
0xf: {  	[tilespmem:s18+$0x30] =	vst v0  }
0x10: {  	[tilespmem:s18+$0x20] =	vst v0  }
0x11: {  	[tilespmem:s18+$0x10] =	vst v0  }
0x12: {  	[tilespmem:s18+$0x0] =	vst v0  }
0x13: {  	[tilespmem:s18+$0xFFFFFFF0] =	vst v0  }
0x14: {  	s19 =	simm.s32 $0x0;
	[tilespmem:s18+$0xFFFFFFE0] =	vst v0  }
.LBB2_2:
0x15: {  	s19 =	sadd.s32 $0x8, s19;
	[tilespmem:s18+$0xFFFFFFD0] =	vst v0;
	s18 =	sadd.s32 $0x80, s18  }
0x16: {  	[tilespmem:s18+$0xFFFFFFC0] =	vst v0;
	p0 =	slt.u32 s19, $0xFF8  }
0x17: {  	[tilespmem:s18+$0x30] =	vst v0  }
.Ltmp0:
0x18: {  	[tilespmem:s18+$0x20] =	vst v0;
	(pc) =	sbr.rel @p0 .LBB2_2-.Ltmp0, $4  }
0x19: {  	[tilespmem:s18+$0x10] =	vst v0  }
0x1a: {  	[tilespmem:s18+$0x0] =	vst v0  }
0x1b: {  	[tilespmem:s18+$0xFFFFFFF0] =	vst v0  }
0x1c: {  	[tilespmem:s18+$0xFFFFFFE0] =	vst v0  }
0x1d: {  	[tilespmem:s18+$0xFFFFFFD0] =	vst v0;
	s18 =	simm.s32 $0x0  }
0x1e: {  	[tilespmem:s18], [sflag:$0x1] =	stream.linear.gather [hbm4b:s4+s18], $0x3000, $0x38;
	[tilespmem:$0x16000] =	vst v63  }
0x1f: {  	_ = 	snop  }
0x20: {  	[tilespmem:s10], [sflag:$0x2] =	stream.linear.gather [hbm4b:s5+s18], $0x3000, $0x38;
	[tilespmem:$0x16000] =	vst v63  }
.LBB2_4:
0x21: {  	_ =	swait.ge [sflag:s11], $0x3000  }
0x22: {  	[sflag:s11] =	ssyncset.done $0x0  }
0x23: {  	s19 =	simm.s32 $0x80;
	[sflag:s11] =	ssyncadd.s32 $0xFFFFD000  }
0x24: {  	v3 =	vld [tilespmem:s19+$0xFFFFFF80]  }
0x25: {  	v4 =	vld [tilespmem:s19+$0xFFFFFF90]  }
0x26: {  	v5 =	vld [tilespmem:s19+$0xFFFFFFA0]  }
0x27: {  	v6 =	vld [tilespmem:s19+$0xFFFFFFC0]  }
0x28: {  	v8 =	vld [tilespmem:s19+$0xFFFFFFD0]  }
0x29: {  	v10 =	vld [tilespmem:s19+$0xFFFFFFB0]  }
0x2a: {  	v59 =	vld [tilespmem:s19+$0xFFFFFFE0]  }
0x2b: {  	v12 =	vld [tilespmem:s19+$0xFFFFFFF0];
	_ =	sdelay $0x2  }
0x2c: {  	v7 =	vshra.s32 v3, $0x1F;
	v9 =	vshra.s32 v4, $0x1F;
	v56 =	vshra.s32 v5, $0x1F  }
0x2d: {  	v58 =	vshra.s32 v6, $0x1F;
	v11 =	vshra.s32 v8, $0x1F;
	v60 =	vshra.s32 v10, $0x1F  }
0x2e: {  	v61 =	vshra.s32 v59, $0x1F;
	v62 =	vshra.s32 v12, $0x1F;
	v7 =	vor.u32 $0x80000000, v7  }
0x2f: {  	v55 =	vor.u32 $0x80000000, v9;
	v57 =	vor.u32 $0x80000000, v56;
	v11 =	vor.u32 $0x80000000, v11  }
0x30: {  	v63 =	vor.u32 $0x80000000, v62;
	v3 =	vxor.u32 v3, v7;
	v4 =	vxor.u32 v4, v55  }
0x31: {  	v5 =	vxor.u32 v5, v57;
	v7 =	vor.u32 $0x80000000, v58;
	v8 =	vxor.u32 v8, v11  }
0x32: {  	v3 =	vshrl.u32 v3, $0x10;
	v4 =	vshrl.u32 v4, $0x10;
	v5 =	vshrl.u32 v5, $0x10  }
0x33: {  	v6 =	vxor.u32 v6, v7;
	v7 =	vor.u32 $0x80000000, v60;
	v8 =	vshrl.u32 v8, $0x10  }
0x34: {  	v3 =	vand.u32 $0xFFF0, v3;
	v5 =	vand.u32 $0xFFF0, v5;
	v4 =	vand.u32 $0xFFF0, v4  }
0x35: {  	v6 =	vshrl.u32 v6, $0x10;
	v7 =	vxor.u32 v10, v7;
	v3 =	vor.u32 v1, v3  }
0x36: {  	v10 =	vor.u32 $0x80000000, v61;
	v4 =	vor.u32 v1, v4;
	v7 =	vshrl.u32 v7, $0x10  }
0x37: {  	v8 =	vand.u32 $0xFFF0, v8;
	v5 =	vor.u32 v1, v5;
	v7 =	vand.u32 $0xFFF0, v7  }
0x38: {  	v6 =	vand.u32 $0xFFF0, v6;
	v9 =	vxor.u32 v59, v10;
	v7 =	vor.u32 v1, v7  }
0x39: {  	v10 =	vxor.u32 v12, v63;
	v6 =	vor.u32 v1, v6;
	v9 =	vshrl.u32 v9, $0x10  }
0x3a: {  	v8 =	vor.u32 v1, v8;
	v9 =	vand.u32 $0xFFF0, v9;
	[tilespmem:v3+s12+$0x0] =	vst.idx.add.s32.msk $0xffff, v2;
	v3 =	vshrl.u32 v10, $0x10  }
0x3b: {  	[tilespmem:v4+s12+$0x0] =	vst.idx.add.s32.msk $0xffff, v2;
	v4 =	vor.u32 v1, v9;
	v3 =	vand.u32 $0xFFF0, v3  }
0x3c: {  	[tilespmem:v5+s12+$0x0] =	vst.idx.add.s32.msk $0xffff, v2;
	v3 =	vor.u32 v1, v3  }
0x3d: {  	[tilespmem:v7+s12+$0x0] =	vst.idx.add.s32.msk $0xffff, v2  }
0x3e: {  	[tilespmem:v6+s12+$0x0] =	vst.idx.add.s32.msk $0xffff, v2  }
0x3f: {  	[tilespmem:v8+s12+$0x0] =	vst.idx.add.s32.msk $0xffff, v2  }
0x40: {  	[tilespmem:v4+s12+$0x0] =	vst.idx.add.s32.msk $0xffff, v2  }
0x41: {  	[tilespmem:v3+s12+$0x0] =	vst.idx.add.s32.msk $0xffff, v2  }
0x42: {  	s20 =	simm.s32 $0x0;
	s21 =	simm.s32 $0x80;
	v3 =	vld [tilespmem:s19+$0x0]  }
.LBB2_5:
0x43: {  	s20 =	sadd.s32 $0x2, s20;
	v4 =	vld [tilespmem:s19+$0x10];
	s21 =	sadd.s32 $0x100, s21  }
0x44: {  	p0 =	slt.u32 s20, $0x5E;
	v5 =	vld [tilespmem:s19+$0x20]  }
0x45: {  	v6 =	vld [tilespmem:s19+$0x30]  }
0x46: {  	v7 =	vld [tilespmem:s19+$0x40]  }
0x47: {  	v8 =	vshra.s32 v3, $0x1F  }
0x48: {  	v8 =	vor.u32 $0x80000000, v8;
	v9 =	vshra.s32 v4, $0x1F  }
0x49: {  	v3 =	vxor.u32 v3, v8;
	v8 =	vor.u32 $0x80000000, v9;
	v9 =	vshra.s32 v5, $0x1F  }
0x4a: {  	v10 =	vld [tilespmem:s19+$0x50];
	v3 =	vshrl.u32 v3, $0x10;
	v4 =	vxor.u32 v4, v8;
	v8 =	vshra.s32 v6, $0x1F  }
0x4b: {  	v9 =	vor.u32 $0x80000000, v9;
	v4 =	vshrl.u32 v4, $0x10;
	v3 =	vand.u32 $0xFFF0, v3  }
0x4c: {  	v11 =	vshra.s32 v7, $0x1F;
	v3 =	vor.u32 v1, v3;
	v4 =	vand.u32 $0xFFF0, v4  }
0x4d: {  	v5 =	vxor.u32 v5, v9;
	v9 =	vor.u32 $0x80000000, v11;
	v12 =	vld [tilespmem:s19+$0x60];
	v4 =	vor.u32 v1, v4  }
0x4e: {  	v8 =	vor.u32 $0x80000000, v8;
	v5 =	vshrl.u32 v5, $0x10;
	v7 =	vxor.u32 v7, v9  }
0x4f: {  	v6 =	vxor.u32 v6, v8;
	v5 =	vand.u32 $0xFFF0, v5;
	v7 =	vshrl.u32 v7, $0x10;
	v9 =	vld [tilespmem:s19+$0x70];
	s19 =	smov.u32 s21  }
0x50: {  	v6 =	vshrl.u32 v6, $0x10;
	v5 =	vor.u32 v1, v5;
	v7 =	vand.u32 $0xFFF0, v7  }
0x51: {  	v8 =	vshra.s32 v10, $0x1F;
	[tilespmem:v3+s12+$0x0] =	vst.idx.add.s32.msk $0xffff, v2;
	v3 =	vand.u32 $0xFFF0, v6  }
0x52: {  	v6 =	vor.u32 $0x80000000, v8;
	[tilespmem:v4+s12+$0x0] =	vst.idx.add.s32.msk $0xffff, v2;
	v3 =	vor.u32 v1, v3;
	v4 =	vor.u32 v1, v7  }
0x53: {  	v6 =	vxor.u32 v10, v6;
	v7 =	vshra.s32 v12, $0x1F  }
0x54: {  	v6 =	vshrl.u32 v6, $0x10;
	v7 =	vor.u32 $0x80000000, v7;
	v8 =	vshra.s32 v9, $0x1F  }
0x55: {  	v7 =	vxor.u32 v12, v7;
	v8 =	vor.u32 $0x80000000, v8;
	[tilespmem:v5+s12+$0x0] =	vst.idx.add.s32.msk $0xffff, v2;
	v5 =	vand.u32 $0xFFF0, v6  }
0x56: {  	v6 =	vshrl.u32 v7, $0x10;
	v7 =	vxor.u32 v9, v8;
	v5 =	vor.u32 v1, v5  }
0x57: {  	v7 =	vshrl.u32 v7, $0x10;
	[tilespmem:v3+s12+$0x0] =	vst.idx.add.s32.msk $0xffff, v2;
	v3 =	vand.u32 $0xFFF0, v6  }
0x58: {  	[tilespmem:v4+s12+$0x0] =	vst.idx.add.s32.msk $0xffff, v2;
	v3 =	vor.u32 v1, v3;
	v4 =	vand.u32 $0xFFF0, v7  }
0x59: {  	v4 =	vor.u32 v1, v4;
	_ =	sdelay $0x1  }
0x5a: {  	[tilespmem:v5+s12+$0x0] =	vst.idx.add.s32.msk $0xffff, v2;
	_ =	sdelay $0x1  }
0x5b: {  	[tilespmem:v3+s12+$0x0] =	vst.idx.add.s32.msk $0xffff, v2  }
0x5c: {  	[tilespmem:v4+s12+$0x0] =	vst.idx.add.s32.msk $0xffff, v2  }
0x5d: {  	v3 =	vld [tilespmem:s21+$0xFFFFFFA0]  }
0x5e: {  	v4 =	vld [tilespmem:s21+$0xFFFFFF80]  }
0x5f: {  	v5 =	vld [tilespmem:s21+$0xFFFFFF90];
	_ =	sdelay $0x1  }
0x60: {  	v6 =	vld [tilespmem:s21+$0xFFFFFFB0]  }
0x61: {  	v7 =	vld [tilespmem:s21+$0xFFFFFFC0]  }
0x62: {  	v8 =	vld [tilespmem:s21+$0xFFFFFFD0];
	v9 =	vshra.s32 v4, $0x1F  }
0x63: {  	v9 =	vor.u32 $0x80000000, v9;
	v10 =	vshra.s32 v5, $0x1F  }
0x64: {  	v4 =	vxor.u32 v4, v9;
	v9 =	vor.u32 $0x80000000, v10;
	v10 =	vshra.s32 v3, $0x1F  }
0x65: {  	v4 =	vshrl.u32 v4, $0x10;
	v5 =	vxor.u32 v5, v9;
	v9 =	vor.u32 $0x80000000, v10  }
0x66: {  	v5 =	vshrl.u32 v5, $0x10;
	v3 =	vxor.u32 v3, v9;
	v4 =	vand.u32 $0xFFF0, v4  }
0x67: {  	v9 =	vshra.s32 v7, $0x1F;
	v3 =	vshrl.u32 v3, $0x10;
	v4 =	vor.u32 v1, v4  }
0x68: {  	v9 =	vor.u32 $0x80000000, v9;
	v11 =	vshra.s32 v8, $0x1F;
	v10 =	vld [tilespmem:s21+$0xFFFFFFE0];
	v3 =	vand.u32 $0xFFF0, v3  }
0x69: {  	v5 =	vand.u32 $0xFFF0, v5;
	v7 =	vxor.u32 v7, v9;
	v12 =	vld [tilespmem:s21+$0xFFFFFFF0];
	v3 =	vor.u32 v1, v3  }
0x6a: {  	v9 =	vshra.s32 v6, $0x1F;
	v11 =	vor.u32 $0x80000000, v11;
	v7 =	vshrl.u32 v7, $0x10  }
0x6b: {  	v9 =	vor.u32 $0x80000000, v9;
	v8 =	vxor.u32 v8, v11;
	v7 =	vand.u32 $0xFFF0, v7  }
0x6c: {  	v6 =	vxor.u32 v6, v9;
	v8 =	vshrl.u32 v8, $0x10;
	[tilespmem:v4+s12+$0x0] =	vst.idx.add.s32.msk $0xffff, v2;
	v4 =	vor.u32 v1, v5  }
0x6d: {  	v7 =	vor.u32 v1, v7;
	v5 =	vshrl.u32 v6, $0x10;
	v6 =	vshra.s32 v10, $0x1F  }
0x6e: {  	v5 =	vand.u32 $0xFFF0, v5;
	v6 =	vor.u32 $0x80000000, v6;
	v9 =	vshra.s32 v12, $0x1F  }
0x6f: {  	v5 =	vor.u32 v1, v5;
	v6 =	vxor.u32 v10, v6;
	v9 =	vor.u32 $0x80000000, v9  }
0x70: {  	v8 =	vand.u32 $0xFFF0, v8;
	v6 =	vshrl.u32 v6, $0x10;
	v9 =	vxor.u32 v12, v9  }
0x71: {  	v8 =	vor.u32 v1, v8;
	v9 =	vshrl.u32 v9, $0x10;
	v6 =	vand.u32 $0xFFF0, v6  }
0x72: {  	[tilespmem:v4+s12+$0x0] =	vst.idx.add.s32.msk $0xffff, v2;
	v4 =	vor.u32 v1, v6;
	v6 =	vand.u32 $0xFFF0, v9  }
0x73: {  	[tilespmem:v3+s12+$0x0] =	vst.idx.add.s32.msk $0xffff, v2;
	v3 =	vor.u32 v1, v6  }
0x74: {  	[tilespmem:v5+s12+$0x0] =	vst.idx.add.s32.msk $0xffff, v2  }
.Ltmp1:
0x75: {  	[tilespmem:v7+s12+$0x0] =	vst.idx.add.s32.msk $0xffff, v2;
	(pc) =	sbr.rel @p0 .LBB2_5-.Ltmp1, $4  }
0x76: {  	[tilespmem:v8+s12+$0x0] =	vst.idx.add.s32.msk $0xffff, v2  }
0x77: {  	[tilespmem:v4+s12+$0x0] =	vst.idx.add.s32.msk $0xffff, v2  }
0x78: {  	[tilespmem:v3+s12+$0x0] =	vst.idx.add.s32.msk $0xffff, v2  }
0x79: {  	v3 =	vld [tilespmem:s21+$0x0]  }
0x7a: {  	v4 =	vld [tilespmem:s19+$0x10]  }
0x7b: {  	v5 =	vld [tilespmem:s19+$0x20]  }
0x7c: {  	v6 =	vld [tilespmem:s19+$0x30]  }
0x7d: {  	v7 =	vld [tilespmem:s19+$0x40]  }
0x7e: {  	v10 =	vld [tilespmem:s19+$0x50]  }
0x7f: {  	v12 =	vld [tilespmem:s19+$0x60]  }
0x80: {  	v41 =	vld [tilespmem:s19+$0x70];
	_ =	sdelay $0x1  }
0x81: {  	v8 =	vshra.s32 v3, $0x1F  }
0x82: {  	v8 =	vor.u32 $0x80000000, v8;
	v9 =	vshra.s32 v4, $0x1F  }
0x83: {  	v38 =	vshra.s32 v5, $0x1F;
	v39 =	vshra.s32 v6, $0x1F;
	v11 =	vshra.s32 v7, $0x1F  }
0x84: {  	v42 =	vshra.s32 v10, $0x1F;
	v43 =	vshra.s32 v12, $0x1F;
	v45 =	vshra.s32 v41, $0x1F  }
0x85: {  	v3 =	vxor.u32 v3, v8;
	v37 =	vor.u32 $0x80000000, v9;
	v9 =	vor.u32 $0x80000000, v38  }
0x86: {  	v40 =	vor.u32 $0x80000000, v11;
	v8 =	vor.u32 $0x80000000, v39;
	v44 =	vor.u32 $0x80000000, v43  }
0x87: {  	v11 =	vor.u32 $0x80000000, v45;
	v3 =	vshrl.u32 v3, $0x10;
	v4 =	vxor.u32 v4, v37  }
0x88: {  	v5 =	vxor.u32 v5, v9;
	v7 =	vxor.u32 v7, v40;
	v6 =	vxor.u32 v6, v8  }
0x89: {  	v8 =	vor.u32 $0x80000000, v42;
	v9 =	vxor.u32 v41, v11;
	v4 =	vshrl.u32 v4, $0x10  }
0x8a: {  	v3 =	vand.u32 $0xFFF0, v3;
	v5 =	vshrl.u32 v5, $0x10;
	v7 =	vshrl.u32 v7, $0x10  }
0x8b: {  	v6 =	vshrl.u32 v6, $0x10;
	v3 =	vor.u32 v1, v3;
	v4 =	vand.u32 $0xFFF0, v4  }
0x8c: {  	v8 =	vxor.u32 v10, v8;
	v5 =	vand.u32 $0xFFF0, v5;
	v4 =	vor.u32 v1, v4  }
0x8d: {  	v10 =	vxor.u32 v12, v44;
	v6 =	vand.u32 $0xFFF0, v6;
	v5 =	vor.u32 v1, v5  }
0x8e: {  	v7 =	vand.u32 $0xFFF0, v7;
	v8 =	vshrl.u32 v8, $0x10;
	v6 =	vor.u32 v1, v6  }
0x8f: {  	v10 =	vshrl.u32 v10, $0x10;
	v7 =	vor.u32 v1, v7;
	v8 =	vand.u32 $0xFFF0, v8  }
0x90: {  	v46 =	vshrl.u32 v9, $0x10;
	v47 =	vand.u32 $0xFFF0, v10;
	[tilespmem:v3+s12+$0x0] =	vst.idx.add.s32.msk $0xffff, v2;
	v3 =	vor.u32 v1, v8  }
0x91: {  	v8 =	vand.u32 $0xFFF0, v46;
	[tilespmem:v4+s12+$0x0] =	vst.idx.add.s32.msk $0xffff, v2;
	v4 =	vor.u32 v1, v47  }
0x92: {  	[tilespmem:v5+s12+$0x0] =	vst.idx.add.s32.msk $0xffff, v2;
	v5 =	vor.u32 v1, v8  }
0x93: {  	s19 =	smul.u32 $0x6000, s18;
	[tilespmem:v6+s12+$0x0] =	vst.idx.add.s32.msk $0xffff, v2  }
0x94: {  	[tilespmem:v7+s12+$0x0] =	vst.idx.add.s32.msk $0xffff, v2  }
0x95: {  	s20 =	sadd.s32 s19, s6;
	[tilespmem:v3+s12+$0x0] =	vst.idx.add.s32.msk $0xffff, v2  }
0x96: {  	s20 =	sshrl.u32 s20, $0x3;
	[tilespmem:v4+s12+$0x0] =	vst.idx.add.s32.msk $0xffff, v2  }
0x97: {  	s20 =	sadd.s32 s2, s20;
	[tilespmem:v5+s12+$0x0] =	vst.idx.add.s32.msk $0xffff, v2  }
0x98: {  	[tilespmem:s3], [sflag:$0x1] =	stream.linear.gather [hbm4b:s20+s3], $0x3000, $0x38;
	[tilespmem:$0x16000] =	vst v63  }
0x99: {  	_ =	swait.ge [sflag:s13], $0x3000  }
0x9a: {  	[sflag:s13] =	ssyncset.done $0x0  }
0x9b: {  	s20 =	simm.s32 $0x3080;
	[sflag:s13] =	ssyncadd.s32 $0xFFFFD000  }
0x9c: {  	v3 =	vld [tilespmem:s20+$0xFFFFFF80]  }
0x9d: {  	v4 =	vld [tilespmem:s20+$0xFFFFFF90]  }
0x9e: {  	v5 =	vld [tilespmem:s20+$0xFFFFFFA0]  }
0x9f: {  	v48 =	vld [tilespmem:s20+$0xFFFFFFC0]  }
0xa0: {  	v50 =	vld [tilespmem:s20+$0xFFFFFFD0]  }
0xa1: {  	v54 =	vld [tilespmem:s20+$0xFFFFFFB0]  }
0xa2: {  	v57 =	vld [tilespmem:s20+$0xFFFFFFE0]  }
0xa3: {  	v59 =	vld [tilespmem:s20+$0xFFFFFFF0];
	_ =	sdelay $0x2  }
0xa4: {  	v49 =	vshra.s32 v3, $0x1F;
	v51 =	vshra.s32 v4, $0x1F;
	v53 =	vshra.s32 v5, $0x1F  }
0xa5: {  	v56 =	vshra.s32 v48, $0x1F;
	v58 =	vshra.s32 v50, $0x1F;
	v60 =	vshra.s32 v54, $0x1F  }
0xa6: {  	v61 =	vshra.s32 v57, $0x1F;
	v62 =	vshra.s32 v59, $0x1F;
	v7 =	vor.u32 $0x80000000, v49  }
0xa7: {  	v52 =	vor.u32 $0x80000000, v51;
	v55 =	vor.u32 $0x80000000, v53;
	v11 =	vor.u32 $0x80000000, v58  }
0xa8: {  	v10 =	vor.u32 $0x80000000, v61;
	v63 =	vor.u32 $0x80000000, v62;
	v3 =	vxor.u32 v3, v7  }
0xa9: {  	v4 =	vxor.u32 v4, v52;
	v5 =	vxor.u32 v5, v55;
	v7 =	vor.u32 $0x80000000, v56  }
0xaa: {  	v8 =	vxor.u32 v50, v11;
	v9 =	vxor.u32 v57, v10;
	v10 =	vxor.u32 v59, v63  }
0xab: {  	v3 =	vshrl.u32 v3, $0x10;
	v4 =	vshrl.u32 v4, $0x10;
	v5 =	vshrl.u32 v5, $0x10  }
0xac: {  	v6 =	vxor.u32 v48, v7;
	v7 =	vor.u32 $0x80000000, v60;
	v3 =	vand.u32 $0xFFF0, v3  }
0xad: {  	v4 =	vand.u32 $0xFFF0, v4;
	v7 =	vxor.u32 v54, v7;
	v3 =	vor.u32 v1, v3  }
0xae: {  	v5 =	vand.u32 $0xFFF0, v5;
	v4 =	vor.u32 v1, v4;
	v7 =	vshrl.u32 v7, $0x10  }
0xaf: {  	v6 =	vshrl.u32 v6, $0x10;
	v5 =	vor.u32 v1, v5;
	v7 =	vand.u32 $0xFFF0, v7  }
0xb0: {  	v8 =	vshrl.u32 v8, $0x10;
	v6 =	vand.u32 $0xFFF0, v6;
	v7 =	vor.u32 v1, v7  }
0xb1: {  	v9 =	vshrl.u32 v9, $0x10;
	v8 =	vand.u32 $0xFFF0, v8;
	v6 =	vor.u32 v1, v6  }
0xb2: {  	v9 =	vand.u32 $0xFFF0, v9;
	v8 =	vor.u32 v1, v8;
	[tilespmem:v3+s12+$0x0] =	vst.idx.add.s32.msk $0xffff, v2;
	v3 =	vshrl.u32 v10, $0x10  }
0xb3: {  	[tilespmem:v4+s12+$0x0] =	vst.idx.add.s32.msk $0xffff, v2;
	v4 =	vor.u32 v1, v9;
	v3 =	vand.u32 $0xFFF0, v3  }
0xb4: {  	[tilespmem:v5+s12+$0x0] =	vst.idx.add.s32.msk $0xffff, v2;
	v3 =	vor.u32 v1, v3  }
0xb5: {  	[tilespmem:v7+s12+$0x0] =	vst.idx.add.s32.msk $0xffff, v2  }
0xb6: {  	[tilespmem:v6+s12+$0x0] =	vst.idx.add.s32.msk $0xffff, v2  }
0xb7: {  	[tilespmem:v8+s12+$0x0] =	vst.idx.add.s32.msk $0xffff, v2  }
0xb8: {  	[tilespmem:v4+s12+$0x0] =	vst.idx.add.s32.msk $0xffff, v2  }
0xb9: {  	[tilespmem:v3+s12+$0x0] =	vst.idx.add.s32.msk $0xffff, v2  }
0xba: {  	s21 =	simm.s32 $0x0;
	s22 =	simm.s32 $0x3080;
	v3 =	vld [tilespmem:s20+$0x0]  }
.LBB2_7:
0xbb: {  	s21 =	sadd.s32 $0x2, s21;
	v4 =	vld [tilespmem:s20+$0x10];
	s22 =	sadd.s32 $0x100, s22  }
0xbc: {  	p0 =	slt.u32 s21, $0x5E;
	v5 =	vld [tilespmem:s20+$0x20]  }
0xbd: {  	v6 =	vld [tilespmem:s20+$0x30]  }
0xbe: {  	v7 =	vld [tilespmem:s20+$0x40]  }
0xbf: {  	v8 =	vshra.s32 v3, $0x1F  }
0xc0: {  	v8 =	vor.u32 $0x80000000, v8;
	v9 =	vshra.s32 v4, $0x1F  }
0xc1: {  	v3 =	vxor.u32 v3, v8;
	v8 =	vor.u32 $0x80000000, v9;
	v9 =	vshra.s32 v5, $0x1F  }
0xc2: {  	v10 =	vld [tilespmem:s20+$0x50];
	v3 =	vshrl.u32 v3, $0x10;
	v4 =	vxor.u32 v4, v8;
	v8 =	vshra.s32 v6, $0x1F  }
0xc3: {  	v9 =	vor.u32 $0x80000000, v9;
	v4 =	vshrl.u32 v4, $0x10;
	v3 =	vand.u32 $0xFFF0, v3  }
0xc4: {  	v11 =	vshra.s32 v7, $0x1F;
	v3 =	vor.u32 v1, v3;
	v4 =	vand.u32 $0xFFF0, v4  }
0xc5: {  	v5 =	vxor.u32 v5, v9;
	v9 =	vor.u32 $0x80000000, v11;
	v12 =	vld [tilespmem:s20+$0x60];
	v4 =	vor.u32 v1, v4  }
0xc6: {  	v8 =	vor.u32 $0x80000000, v8;
	v5 =	vshrl.u32 v5, $0x10;
	v7 =	vxor.u32 v7, v9  }
0xc7: {  	v6 =	vxor.u32 v6, v8;
	v5 =	vand.u32 $0xFFF0, v5;
	v7 =	vshrl.u32 v7, $0x10;
	v9 =	vld [tilespmem:s20+$0x70];
	s20 =	smov.u32 s22  }
0xc8: {  	v6 =	vshrl.u32 v6, $0x10;
	v5 =	vor.u32 v1, v5;
	v7 =	vand.u32 $0xFFF0, v7  }
0xc9: {  	v8 =	vshra.s32 v10, $0x1F;
	[tilespmem:v3+s12+$0x0] =	vst.idx.add.s32.msk $0xffff, v2;
	v3 =	vand.u32 $0xFFF0, v6  }
0xca: {  	v6 =	vor.u32 $0x80000000, v8;
	[tilespmem:v4+s12+$0x0] =	vst.idx.add.s32.msk $0xffff, v2;
	v3 =	vor.u32 v1, v3;
	v4 =	vor.u32 v1, v7  }
0xcb: {  	v6 =	vxor.u32 v10, v6;
	v7 =	vshra.s32 v12, $0x1F  }
0xcc: {  	v6 =	vshrl.u32 v6, $0x10;
	v7 =	vor.u32 $0x80000000, v7;
	v8 =	vshra.s32 v9, $0x1F  }
0xcd: {  	v7 =	vxor.u32 v12, v7;
	v8 =	vor.u32 $0x80000000, v8;
	[tilespmem:v5+s12+$0x0] =	vst.idx.add.s32.msk $0xffff, v2;
	v5 =	vand.u32 $0xFFF0, v6  }
0xce: {  	v6 =	vshrl.u32 v7, $0x10;
	v7 =	vxor.u32 v9, v8;
	v5 =	vor.u32 v1, v5  }
0xcf: {  	v7 =	vshrl.u32 v7, $0x10;
	[tilespmem:v3+s12+$0x0] =	vst.idx.add.s32.msk $0xffff, v2;
	v3 =	vand.u32 $0xFFF0, v6  }
0xd0: {  	[tilespmem:v4+s12+$0x0] =	vst.idx.add.s32.msk $0xffff, v2;
	v3 =	vor.u32 v1, v3;
	v4 =	vand.u32 $0xFFF0, v7  }
0xd1: {  	v4 =	vor.u32 v1, v4;
	_ =	sdelay $0x1  }
0xd2: {  	[tilespmem:v5+s12+$0x0] =	vst.idx.add.s32.msk $0xffff, v2;
	_ =	sdelay $0x1  }
0xd3: {  	[tilespmem:v3+s12+$0x0] =	vst.idx.add.s32.msk $0xffff, v2  }
0xd4: {  	[tilespmem:v4+s12+$0x0] =	vst.idx.add.s32.msk $0xffff, v2  }
0xd5: {  	v3 =	vld [tilespmem:s22+$0xFFFFFFA0]  }
0xd6: {  	v4 =	vld [tilespmem:s22+$0xFFFFFF80]  }
0xd7: {  	v5 =	vld [tilespmem:s22+$0xFFFFFF90];
	_ =	sdelay $0x1  }
0xd8: {  	v6 =	vld [tilespmem:s22+$0xFFFFFFB0]  }
0xd9: {  	v7 =	vld [tilespmem:s22+$0xFFFFFFC0]  }
0xda: {  	v8 =	vld [tilespmem:s22+$0xFFFFFFD0];
	v9 =	vshra.s32 v4, $0x1F  }
0xdb: {  	v9 =	vor.u32 $0x80000000, v9;
	v10 =	vshra.s32 v5, $0x1F  }
0xdc: {  	v4 =	vxor.u32 v4, v9;
	v9 =	vor.u32 $0x80000000, v10;
	v10 =	vshra.s32 v3, $0x1F  }
0xdd: {  	v4 =	vshrl.u32 v4, $0x10;
	v5 =	vxor.u32 v5, v9;
	v9 =	vor.u32 $0x80000000, v10  }
0xde: {  	v5 =	vshrl.u32 v5, $0x10;
	v3 =	vxor.u32 v3, v9;
	v4 =	vand.u32 $0xFFF0, v4  }
0xdf: {  	v9 =	vshra.s32 v7, $0x1F;
	v3 =	vshrl.u32 v3, $0x10;
	v4 =	vor.u32 v1, v4  }
0xe0: {  	v9 =	vor.u32 $0x80000000, v9;
	v11 =	vshra.s32 v8, $0x1F;
	v10 =	vld [tilespmem:s22+$0xFFFFFFE0];
	v3 =	vand.u32 $0xFFF0, v3  }
0xe1: {  	v5 =	vand.u32 $0xFFF0, v5;
	v7 =	vxor.u32 v7, v9;
	v12 =	vld [tilespmem:s22+$0xFFFFFFF0];
	v3 =	vor.u32 v1, v3  }
0xe2: {  	v9 =	vshra.s32 v6, $0x1F;
	v11 =	vor.u32 $0x80000000, v11;
	v7 =	vshrl.u32 v7, $0x10  }
0xe3: {  	v9 =	vor.u32 $0x80000000, v9;
	v8 =	vxor.u32 v8, v11;
	v7 =	vand.u32 $0xFFF0, v7  }
0xe4: {  	v6 =	vxor.u32 v6, v9;
	v8 =	vshrl.u32 v8, $0x10;
	[tilespmem:v4+s12+$0x0] =	vst.idx.add.s32.msk $0xffff, v2;
	v4 =	vor.u32 v1, v5  }
0xe5: {  	v7 =	vor.u32 v1, v7;
	v5 =	vshrl.u32 v6, $0x10;
	v6 =	vshra.s32 v10, $0x1F  }
0xe6: {  	v5 =	vand.u32 $0xFFF0, v5;
	v6 =	vor.u32 $0x80000000, v6;
	v9 =	vshra.s32 v12, $0x1F  }
0xe7: {  	v5 =	vor.u32 v1, v5;
	v6 =	vxor.u32 v10, v6;
	v9 =	vor.u32 $0x80000000, v9  }
0xe8: {  	v8 =	vand.u32 $0xFFF0, v8;
	v6 =	vshrl.u32 v6, $0x10;
	v9 =	vxor.u32 v12, v9  }
0xe9: {  	v8 =	vor.u32 v1, v8;
	v9 =	vshrl.u32 v9, $0x10;
	v6 =	vand.u32 $0xFFF0, v6  }
0xea: {  	[tilespmem:v4+s12+$0x0] =	vst.idx.add.s32.msk $0xffff, v2;
	v4 =	vor.u32 v1, v6;
	v6 =	vand.u32 $0xFFF0, v9  }
0xeb: {  	[tilespmem:v3+s12+$0x0] =	vst.idx.add.s32.msk $0xffff, v2;
	v3 =	vor.u32 v1, v6  }
0xec: {  	[tilespmem:v5+s12+$0x0] =	vst.idx.add.s32.msk $0xffff, v2  }
.Ltmp2:
0xed: {  	[tilespmem:v7+s12+$0x0] =	vst.idx.add.s32.msk $0xffff, v2;
	(pc) =	sbr.rel @p0 .LBB2_7-.Ltmp2, $4  }
0xee: {  	[tilespmem:v8+s12+$0x0] =	vst.idx.add.s32.msk $0xffff, v2  }
0xef: {  	[tilespmem:v4+s12+$0x0] =	vst.idx.add.s32.msk $0xffff, v2  }
0xf0: {  	[tilespmem:v3+s12+$0x0] =	vst.idx.add.s32.msk $0xffff, v2  }
0xf1: {  	v3 =	vld [tilespmem:s22+$0x0]  }
0xf2: {  	v4 =	vld [tilespmem:s20+$0x10]  }
0xf3: {  	v5 =	vld [tilespmem:s20+$0x20]  }
0xf4: {  	v6 =	vld [tilespmem:s20+$0x30]  }
0xf5: {  	v7 =	vld [tilespmem:s20+$0x40]  }
0xf6: {  	v10 =	vld [tilespmem:s20+$0x50]  }
0xf7: {  	v12 =	vld [tilespmem:s20+$0x60]  }
0xf8: {  	v55 =	vld [tilespmem:s20+$0x70];
	_ =	sdelay $0x1  }
0xf9: {  	v8 =	vshra.s32 v3, $0x1F  }
0xfa: {  	v8 =	vor.u32 $0x80000000, v8;
	v9 =	vshra.s32 v4, $0x1F  }
0xfb: {  	v52 =	vshra.s32 v5, $0x1F;
	v53 =	vshra.s32 v6, $0x1F;
	v11 =	vshra.s32 v7, $0x1F  }
0xfc: {  	v56 =	vshra.s32 v10, $0x1F;
	v57 =	vshra.s32 v12, $0x1F;
	v59 =	vshra.s32 v55, $0x1F  }
0xfd: {  	v3 =	vxor.u32 v3, v8;
	v51 =	vor.u32 $0x80000000, v9;
	v9 =	vor.u32 $0x80000000, v52  }
0xfe: {  	v54 =	vor.u32 $0x80000000, v11;
	v8 =	vor.u32 $0x80000000, v53;
	v58 =	vor.u32 $0x80000000, v57  }
0xff: {  	v11 =	vor.u32 $0x80000000, v59;
	v3 =	vshrl.u32 v3, $0x10;
	v4 =	vxor.u32 v4, v51  }
0x100: {  	v5 =	vxor.u32 v5, v9;
	v7 =	vxor.u32 v7, v54;
	v6 =	vxor.u32 v6, v8  }
0x101: {  	v8 =	vor.u32 $0x80000000, v56;
	v9 =	vxor.u32 v55, v11;
	v4 =	vshrl.u32 v4, $0x10  }
0x102: {  	v3 =	vand.u32 $0xFFF0, v3;
	v5 =	vshrl.u32 v5, $0x10;
	v7 =	vshrl.u32 v7, $0x10  }
0x103: {  	v6 =	vshrl.u32 v6, $0x10;
	v3 =	vor.u32 v1, v3;
	v4 =	vand.u32 $0xFFF0, v4  }
0x104: {  	v8 =	vxor.u32 v10, v8;
	v5 =	vand.u32 $0xFFF0, v5;
	v4 =	vor.u32 v1, v4  }
0x105: {  	v10 =	vxor.u32 v12, v58;
	v6 =	vand.u32 $0xFFF0, v6;
	v5 =	vor.u32 v1, v5  }
0x106: {  	v7 =	vand.u32 $0xFFF0, v7;
	v8 =	vshrl.u32 v8, $0x10;
	v6 =	vor.u32 v1, v6  }
0x107: {  	v10 =	vshrl.u32 v10, $0x10;
	v7 =	vor.u32 v1, v7;
	v8 =	vand.u32 $0xFFF0, v8  }
0x108: {  	v60 =	vshrl.u32 v9, $0x10;
	v61 =	vand.u32 $0xFFF0, v10;
	[tilespmem:v3+s12+$0x0] =	vst.idx.add.s32.msk $0xffff, v2;
	v3 =	vor.u32 v1, v8  }
0x109: {  	v62 =	vor.u32 v1, v61;
	v8 =	vand.u32 $0xFFF0, v60;
	[tilespmem:v4+s12+$0x0] =	vst.idx.add.s32.msk $0xffff, v2  }
0x10a: {  	s18 =	sadd.s32 $0x1, s18;
	v63 =	vor.u32 v1, v8;
	[tilespmem:v5+s12+$0x0] =	vst.idx.add.s32.msk $0xffff, v2  }
0x10b: {  	p0 =	sne.s32 s18, $0x30;
	[tilespmem:v6+s12+$0x0] =	vst.idx.add.s32.msk $0xffff, v2  }
.Ltmp3:
0x10c: {  	[tilespmem:v7+s12+$0x0] =	vst.idx.add.s32.msk $0xffff, v2;
	(pc) =	sbr.rel @p0 .LBB2_4-.Ltmp3, $4  }
0x10d: {  	s19 =	sadd.s32 s19, s7;
	[tilespmem:v3+s12+$0x0] =	vst.idx.add.s32.msk $0xffff, v2  }
0x10e: {  	s19 =	sshrl.u32 s19, $0x3;
	[tilespmem:v62+s12+$0x0] =	vst.idx.add.s32.msk $0xffff, v2  }
0x10f: {  	s19 =	sadd.s32 s2, s19;
	[tilespmem:v63+s12+$0x0] =	vst.idx.add.s32.msk $0xffff, v2  }
0x110: {  	[tilespmem:s10], [sflag:$0x2] =	stream.linear.gather [hbm4b:s19+s3], $0x3000, $0x38;
	[tilespmem:$0x16000] =	vst v63  }
0x111: {  	_ =	swait.ge [sflag:s11], $0x3000  }
0x112: {  	[sflag:s11] =	ssyncset.done $0x0  }
0x113: {  	s18 =	simm.s32 $0x80;
	[sflag:s11] =	ssyncadd.s32 $0xFFFFD000  }
0x114: {  	v3 =	vld [tilespmem:s18+$0xFFFFFF80]  }
0x115: {  	v4 =	vld [tilespmem:s18+$0xFFFFFF90]  }
0x116: {  	v5 =	vld [tilespmem:s18+$0xFFFFFFA0]  }
0x117: {  	v6 =	vld [tilespmem:s18+$0xFFFFFFC0]  }
0x118: {  	v8 =	vld [tilespmem:s18+$0xFFFFFFD0]  }
0x119: {  	v10 =	vld [tilespmem:s18+$0xFFFFFFB0]  }
0x11a: {  	v59 =	vld [tilespmem:s18+$0xFFFFFFE0]  }
0x11b: {  	v12 =	vld [tilespmem:s18+$0xFFFFFFF0];
	_ =	sdelay $0x2  }
0x11c: {  	v7 =	vshra.s32 v3, $0x1F;
	v9 =	vshra.s32 v4, $0x1F;
	v56 =	vshra.s32 v5, $0x1F  }
0x11d: {  	v58 =	vshra.s32 v6, $0x1F;
	v11 =	vshra.s32 v8, $0x1F;
	v60 =	vshra.s32 v10, $0x1F  }
0x11e: {  	v61 =	vshra.s32 v59, $0x1F;
	v62 =	vshra.s32 v12, $0x1F;
	v7 =	vor.u32 $0x80000000, v7  }
0x11f: {  	v55 =	vor.u32 $0x80000000, v9;
	v57 =	vor.u32 $0x80000000, v56;
	v11 =	vor.u32 $0x80000000, v11  }
0x120: {  	v63 =	vor.u32 $0x80000000, v62;
	v3 =	vxor.u32 v3, v7;
	v4 =	vxor.u32 v4, v55  }
0x121: {  	v5 =	vxor.u32 v5, v57;
	v7 =	vor.u32 $0x80000000, v58;
	v8 =	vxor.u32 v8, v11  }
0x122: {  	v3 =	vshrl.u32 v3, $0x10;
	v4 =	vshrl.u32 v4, $0x10;
	v5 =	vshrl.u32 v5, $0x10  }
0x123: {  	v6 =	vxor.u32 v6, v7;
	v7 =	vor.u32 $0x80000000, v60;
	v8 =	vshrl.u32 v8, $0x10  }
0x124: {  	v3 =	vand.u32 $0xFFF0, v3;
	v5 =	vand.u32 $0xFFF0, v5;
	v4 =	vand.u32 $0xFFF0, v4  }
0x125: {  	v6 =	vshrl.u32 v6, $0x10;
	v7 =	vxor.u32 v10, v7;
	v3 =	vor.u32 v1, v3  }
0x126: {  	v10 =	vor.u32 $0x80000000, v61;
	v4 =	vor.u32 v1, v4;
	v7 =	vshrl.u32 v7, $0x10  }
0x127: {  	v8 =	vand.u32 $0xFFF0, v8;
	v5 =	vor.u32 v1, v5;
	v7 =	vand.u32 $0xFFF0, v7  }
0x128: {  	v6 =	vand.u32 $0xFFF0, v6;
	v9 =	vxor.u32 v59, v10;
	v7 =	vor.u32 v1, v7  }
0x129: {  	v10 =	vxor.u32 v12, v63;
	v6 =	vor.u32 v1, v6;
	v9 =	vshrl.u32 v9, $0x10  }
0x12a: {  	v8 =	vor.u32 v1, v8;
	v9 =	vand.u32 $0xFFF0, v9;
	[tilespmem:v3+s12+$0x0] =	vst.idx.add.s32.msk $0xffff, v2;
	v3 =	vshrl.u32 v10, $0x10  }
0x12b: {  	[tilespmem:v4+s12+$0x0] =	vst.idx.add.s32.msk $0xffff, v2;
	v4 =	vor.u32 v1, v9;
	v3 =	vand.u32 $0xFFF0, v3  }
0x12c: {  	[tilespmem:v5+s12+$0x0] =	vst.idx.add.s32.msk $0xffff, v2;
	v3 =	vor.u32 v1, v3  }
0x12d: {  	[tilespmem:v7+s12+$0x0] =	vst.idx.add.s32.msk $0xffff, v2  }
0x12e: {  	[tilespmem:v6+s12+$0x0] =	vst.idx.add.s32.msk $0xffff, v2  }
0x12f: {  	[tilespmem:v8+s12+$0x0] =	vst.idx.add.s32.msk $0xffff, v2  }
0x130: {  	[tilespmem:v4+s12+$0x0] =	vst.idx.add.s32.msk $0xffff, v2  }
0x131: {  	[tilespmem:v3+s12+$0x0] =	vst.idx.add.s32.msk $0xffff, v2  }
0x132: {  	s19 =	simm.s32 $0x0;
	s20 =	simm.s32 $0x80;
	v3 =	vld [tilespmem:s18+$0x0]  }
.LBB2_10:
0x133: {  	s19 =	sadd.s32 $0x2, s19;
	v4 =	vld [tilespmem:s18+$0x10];
	s20 =	sadd.s32 $0x100, s20  }
0x134: {  	p0 =	slt.u32 s19, $0x5E;
	v5 =	vld [tilespmem:s18+$0x20]  }
0x135: {  	v6 =	vld [tilespmem:s18+$0x30]  }
0x136: {  	v7 =	vld [tilespmem:s18+$0x40]  }
0x137: {  	v8 =	vshra.s32 v3, $0x1F  }
0x138: {  	v8 =	vor.u32 $0x80000000, v8;
	v9 =	vshra.s32 v4, $0x1F  }
0x139: {  	v3 =	vxor.u32 v3, v8;
	v8 =	vor.u32 $0x80000000, v9;
	v9 =	vshra.s32 v5, $0x1F  }
0x13a: {  	v10 =	vld [tilespmem:s18+$0x50];
	v3 =	vshrl.u32 v3, $0x10;
	v4 =	vxor.u32 v4, v8;
	v8 =	vshra.s32 v6, $0x1F  }
0x13b: {  	v9 =	vor.u32 $0x80000000, v9;
	v4 =	vshrl.u32 v4, $0x10;
	v3 =	vand.u32 $0xFFF0, v3  }
0x13c: {  	v11 =	vshra.s32 v7, $0x1F;
	v3 =	vor.u32 v1, v3;
	v4 =	vand.u32 $0xFFF0, v4  }
0x13d: {  	v5 =	vxor.u32 v5, v9;
	v9 =	vor.u32 $0x80000000, v11;
	v12 =	vld [tilespmem:s18+$0x60];
	v4 =	vor.u32 v1, v4  }
0x13e: {  	v8 =	vor.u32 $0x80000000, v8;
	v5 =	vshrl.u32 v5, $0x10;
	v7 =	vxor.u32 v7, v9  }
0x13f: {  	v6 =	vxor.u32 v6, v8;
	v5 =	vand.u32 $0xFFF0, v5;
	v7 =	vshrl.u32 v7, $0x10;
	v9 =	vld [tilespmem:s18+$0x70];
	s18 =	smov.u32 s20  }
0x140: {  	v6 =	vshrl.u32 v6, $0x10;
	v5 =	vor.u32 v1, v5;
	v7 =	vand.u32 $0xFFF0, v7  }
0x141: {  	v8 =	vshra.s32 v10, $0x1F;
	[tilespmem:v3+s12+$0x0] =	vst.idx.add.s32.msk $0xffff, v2;
	v3 =	vand.u32 $0xFFF0, v6  }
0x142: {  	v6 =	vor.u32 $0x80000000, v8;
	[tilespmem:v4+s12+$0x0] =	vst.idx.add.s32.msk $0xffff, v2;
	v3 =	vor.u32 v1, v3;
	v4 =	vor.u32 v1, v7  }
0x143: {  	v6 =	vxor.u32 v10, v6;
	v7 =	vshra.s32 v12, $0x1F  }
0x144: {  	v6 =	vshrl.u32 v6, $0x10;
	v7 =	vor.u32 $0x80000000, v7;
	v8 =	vshra.s32 v9, $0x1F  }
0x145: {  	v7 =	vxor.u32 v12, v7;
	v8 =	vor.u32 $0x80000000, v8;
	[tilespmem:v5+s12+$0x0] =	vst.idx.add.s32.msk $0xffff, v2;
	v5 =	vand.u32 $0xFFF0, v6  }
0x146: {  	v6 =	vshrl.u32 v7, $0x10;
	v7 =	vxor.u32 v9, v8;
	v5 =	vor.u32 v1, v5  }
0x147: {  	v7 =	vshrl.u32 v7, $0x10;
	[tilespmem:v3+s12+$0x0] =	vst.idx.add.s32.msk $0xffff, v2;
	v3 =	vand.u32 $0xFFF0, v6  }
0x148: {  	[tilespmem:v4+s12+$0x0] =	vst.idx.add.s32.msk $0xffff, v2;
	v3 =	vor.u32 v1, v3;
	v4 =	vand.u32 $0xFFF0, v7  }
0x149: {  	v4 =	vor.u32 v1, v4;
	_ =	sdelay $0x1  }
0x14a: {  	[tilespmem:v5+s12+$0x0] =	vst.idx.add.s32.msk $0xffff, v2;
	_ =	sdelay $0x1  }
0x14b: {  	[tilespmem:v3+s12+$0x0] =	vst.idx.add.s32.msk $0xffff, v2  }
0x14c: {  	[tilespmem:v4+s12+$0x0] =	vst.idx.add.s32.msk $0xffff, v2  }
0x14d: {  	v3 =	vld [tilespmem:s20+$0xFFFFFFA0]  }
0x14e: {  	v4 =	vld [tilespmem:s20+$0xFFFFFF80]  }
0x14f: {  	v5 =	vld [tilespmem:s20+$0xFFFFFF90];
	_ =	sdelay $0x1  }
0x150: {  	v6 =	vld [tilespmem:s20+$0xFFFFFFB0]  }
0x151: {  	v7 =	vld [tilespmem:s20+$0xFFFFFFC0]  }
0x152: {  	v8 =	vld [tilespmem:s20+$0xFFFFFFD0];
	v9 =	vshra.s32 v4, $0x1F  }
0x153: {  	v9 =	vor.u32 $0x80000000, v9;
	v10 =	vshra.s32 v5, $0x1F  }
0x154: {  	v4 =	vxor.u32 v4, v9;
	v9 =	vor.u32 $0x80000000, v10;
	v10 =	vshra.s32 v3, $0x1F  }
0x155: {  	v4 =	vshrl.u32 v4, $0x10;
	v5 =	vxor.u32 v5, v9;
	v9 =	vor.u32 $0x80000000, v10  }
0x156: {  	v5 =	vshrl.u32 v5, $0x10;
	v3 =	vxor.u32 v3, v9;
	v4 =	vand.u32 $0xFFF0, v4  }
0x157: {  	v9 =	vshra.s32 v7, $0x1F;
	v3 =	vshrl.u32 v3, $0x10;
	v4 =	vor.u32 v1, v4  }
0x158: {  	v9 =	vor.u32 $0x80000000, v9;
	v11 =	vshra.s32 v8, $0x1F;
	v10 =	vld [tilespmem:s20+$0xFFFFFFE0];
	v3 =	vand.u32 $0xFFF0, v3  }
0x159: {  	v5 =	vand.u32 $0xFFF0, v5;
	v7 =	vxor.u32 v7, v9;
	v12 =	vld [tilespmem:s20+$0xFFFFFFF0];
	v3 =	vor.u32 v1, v3  }
0x15a: {  	v9 =	vshra.s32 v6, $0x1F;
	v11 =	vor.u32 $0x80000000, v11;
	v7 =	vshrl.u32 v7, $0x10  }
0x15b: {  	v9 =	vor.u32 $0x80000000, v9;
	v8 =	vxor.u32 v8, v11;
	v7 =	vand.u32 $0xFFF0, v7  }
0x15c: {  	v6 =	vxor.u32 v6, v9;
	v8 =	vshrl.u32 v8, $0x10;
	[tilespmem:v4+s12+$0x0] =	vst.idx.add.s32.msk $0xffff, v2;
	v4 =	vor.u32 v1, v5  }
0x15d: {  	v7 =	vor.u32 v1, v7;
	v5 =	vshrl.u32 v6, $0x10;
	v6 =	vshra.s32 v10, $0x1F  }
0x15e: {  	v5 =	vand.u32 $0xFFF0, v5;
	v6 =	vor.u32 $0x80000000, v6;
	v9 =	vshra.s32 v12, $0x1F  }
0x15f: {  	v5 =	vor.u32 v1, v5;
	v6 =	vxor.u32 v10, v6;
	v9 =	vor.u32 $0x80000000, v9  }
0x160: {  	v8 =	vand.u32 $0xFFF0, v8;
	v6 =	vshrl.u32 v6, $0x10;
	v9 =	vxor.u32 v12, v9  }
0x161: {  	v8 =	vor.u32 v1, v8;
	v9 =	vshrl.u32 v9, $0x10;
	v6 =	vand.u32 $0xFFF0, v6  }
0x162: {  	[tilespmem:v4+s12+$0x0] =	vst.idx.add.s32.msk $0xffff, v2;
	v4 =	vor.u32 v1, v6;
	v6 =	vand.u32 $0xFFF0, v9  }
0x163: {  	[tilespmem:v3+s12+$0x0] =	vst.idx.add.s32.msk $0xffff, v2;
	v3 =	vor.u32 v1, v6  }
0x164: {  	[tilespmem:v5+s12+$0x0] =	vst.idx.add.s32.msk $0xffff, v2  }
.Ltmp4:
0x165: {  	[tilespmem:v7+s12+$0x0] =	vst.idx.add.s32.msk $0xffff, v2;
	(pc) =	sbr.rel @p0 .LBB2_10-.Ltmp4, $4  }
0x166: {  	[tilespmem:v8+s12+$0x0] =	vst.idx.add.s32.msk $0xffff, v2  }
0x167: {  	[tilespmem:v4+s12+$0x0] =	vst.idx.add.s32.msk $0xffff, v2  }
0x168: {  	[tilespmem:v3+s12+$0x0] =	vst.idx.add.s32.msk $0xffff, v2  }
0x169: {  	v3 =	vld [tilespmem:s20+$0x0]  }
0x16a: {  	v4 =	vld [tilespmem:s18+$0x10]  }
0x16b: {  	v5 =	vld [tilespmem:s18+$0x20]  }
0x16c: {  	v6 =	vld [tilespmem:s18+$0x30]  }
0x16d: {  	v7 =	vld [tilespmem:s18+$0x40]  }
0x16e: {  	v10 =	vld [tilespmem:s18+$0x50]  }
0x16f: {  	v12 =	vld [tilespmem:s18+$0x60]  }
0x170: {  	v41 =	vld [tilespmem:s18+$0x70];
	_ =	sdelay $0x1  }
0x171: {  	v8 =	vshra.s32 v3, $0x1F  }
0x172: {  	v8 =	vor.u32 $0x80000000, v8;
	v9 =	vshra.s32 v4, $0x1F  }
0x173: {  	v38 =	vshra.s32 v5, $0x1F;
	v39 =	vshra.s32 v6, $0x1F;
	v11 =	vshra.s32 v7, $0x1F  }
0x174: {  	v42 =	vshra.s32 v10, $0x1F;
	v43 =	vshra.s32 v12, $0x1F;
	v45 =	vshra.s32 v41, $0x1F  }
0x175: {  	v3 =	vxor.u32 v3, v8;
	v37 =	vor.u32 $0x80000000, v9;
	v9 =	vor.u32 $0x80000000, v38  }
0x176: {  	v40 =	vor.u32 $0x80000000, v11;
	v8 =	vor.u32 $0x80000000, v39;
	v44 =	vor.u32 $0x80000000, v43  }
0x177: {  	v11 =	vor.u32 $0x80000000, v45;
	v3 =	vshrl.u32 v3, $0x10;
	v4 =	vxor.u32 v4, v37  }
0x178: {  	v5 =	vxor.u32 v5, v9;
	v7 =	vxor.u32 v7, v40;
	v6 =	vxor.u32 v6, v8  }
0x179: {  	v8 =	vor.u32 $0x80000000, v42;
	v9 =	vxor.u32 v41, v11;
	v4 =	vshrl.u32 v4, $0x10  }
0x17a: {  	v3 =	vand.u32 $0xFFF0, v3;
	v5 =	vshrl.u32 v5, $0x10;
	v7 =	vshrl.u32 v7, $0x10  }
0x17b: {  	v6 =	vshrl.u32 v6, $0x10;
	v3 =	vor.u32 v1, v3;
	v4 =	vand.u32 $0xFFF0, v4  }
0x17c: {  	v8 =	vxor.u32 v10, v8;
	v5 =	vand.u32 $0xFFF0, v5;
	v4 =	vor.u32 v1, v4  }
0x17d: {  	v10 =	vxor.u32 v12, v44;
	v6 =	vand.u32 $0xFFF0, v6;
	v5 =	vor.u32 v1, v5  }
0x17e: {  	v7 =	vand.u32 $0xFFF0, v7;
	v8 =	vshrl.u32 v8, $0x10;
	v6 =	vor.u32 v1, v6  }
0x17f: {  	v10 =	vshrl.u32 v10, $0x10;
	v7 =	vor.u32 v1, v7;
	v8 =	vand.u32 $0xFFF0, v8  }
0x180: {  	v46 =	vshrl.u32 v9, $0x10;
	v47 =	vand.u32 $0xFFF0, v10;
	[tilespmem:v3+s12+$0x0] =	vst.idx.add.s32.msk $0xffff, v2;
	v3 =	vor.u32 v1, v8  }
0x181: {  	v8 =	vand.u32 $0xFFF0, v46;
	[tilespmem:v4+s12+$0x0] =	vst.idx.add.s32.msk $0xffff, v2;
	v4 =	vor.u32 v1, v47  }
0x182: {  	[tilespmem:v5+s12+$0x0] =	vst.idx.add.s32.msk $0xffff, v2;
	v5 =	vor.u32 v1, v8  }
0x183: {  	[tilespmem:v6+s12+$0x0] =	vst.idx.add.s32.msk $0xffff, v2  }
0x184: {  	[tilespmem:v7+s12+$0x0] =	vst.idx.add.s32.msk $0xffff, v2  }
0x185: {  	[tilespmem:v3+s12+$0x0] =	vst.idx.add.s32.msk $0xffff, v2  }
0x186: {  	[tilespmem:v4+s12+$0x0] =	vst.idx.add.s32.msk $0xffff, v2  }
0x187: {  	[tilespmem:v5+s12+$0x0] =	vst.idx.add.s32.msk $0xffff, v2  }
0x188: {  	_ =	swait.ge [sflag:s13], $0x3000  }
0x189: {  	[sflag:s13] =	ssyncset.done $0x0  }
0x18a: {  	s18 =	simm.s32 $0x3080;
	[sflag:s13] =	ssyncadd.s32 $0xFFFFD000  }
0x18b: {  	v3 =	vld [tilespmem:s18+$0xFFFFFF80]  }
0x18c: {  	v4 =	vld [tilespmem:s18+$0xFFFFFF90]  }
0x18d: {  	v5 =	vld [tilespmem:s18+$0xFFFFFFA0]  }
0x18e: {  	v48 =	vld [tilespmem:s18+$0xFFFFFFC0]  }
0x18f: {  	v50 =	vld [tilespmem:s18+$0xFFFFFFD0]  }
0x190: {  	v54 =	vld [tilespmem:s18+$0xFFFFFFB0]  }
0x191: {  	v57 =	vld [tilespmem:s18+$0xFFFFFFE0]  }
0x192: {  	v59 =	vld [tilespmem:s18+$0xFFFFFFF0];
	_ =	sdelay $0x2  }
0x193: {  	v49 =	vshra.s32 v3, $0x1F;
	v51 =	vshra.s32 v4, $0x1F;
	v53 =	vshra.s32 v5, $0x1F  }
0x194: {  	v56 =	vshra.s32 v48, $0x1F;
	v58 =	vshra.s32 v50, $0x1F;
	v60 =	vshra.s32 v54, $0x1F  }
0x195: {  	v61 =	vshra.s32 v57, $0x1F;
	v62 =	vshra.s32 v59, $0x1F;
	v7 =	vor.u32 $0x80000000, v49  }
0x196: {  	v52 =	vor.u32 $0x80000000, v51;
	v55 =	vor.u32 $0x80000000, v53;
	v11 =	vor.u32 $0x80000000, v58  }
0x197: {  	v10 =	vor.u32 $0x80000000, v61;
	v63 =	vor.u32 $0x80000000, v62;
	v3 =	vxor.u32 v3, v7  }
0x198: {  	v4 =	vxor.u32 v4, v52;
	v5 =	vxor.u32 v5, v55;
	v7 =	vor.u32 $0x80000000, v56  }
0x199: {  	v8 =	vxor.u32 v50, v11;
	v9 =	vxor.u32 v57, v10;
	v10 =	vxor.u32 v59, v63  }
0x19a: {  	v3 =	vshrl.u32 v3, $0x10;
	v4 =	vshrl.u32 v4, $0x10;
	v5 =	vshrl.u32 v5, $0x10  }
0x19b: {  	v6 =	vxor.u32 v48, v7;
	v7 =	vor.u32 $0x80000000, v60;
	v3 =	vand.u32 $0xFFF0, v3  }
0x19c: {  	v4 =	vand.u32 $0xFFF0, v4;
	v7 =	vxor.u32 v54, v7;
	v3 =	vor.u32 v1, v3  }
0x19d: {  	v5 =	vand.u32 $0xFFF0, v5;
	v4 =	vor.u32 v1, v4;
	v7 =	vshrl.u32 v7, $0x10  }
0x19e: {  	v6 =	vshrl.u32 v6, $0x10;
	v5 =	vor.u32 v1, v5;
	v7 =	vand.u32 $0xFFF0, v7  }
0x19f: {  	v8 =	vshrl.u32 v8, $0x10;
	v6 =	vand.u32 $0xFFF0, v6;
	v7 =	vor.u32 v1, v7  }
0x1a0: {  	v9 =	vshrl.u32 v9, $0x10;
	v8 =	vand.u32 $0xFFF0, v8;
	v6 =	vor.u32 v1, v6  }
0x1a1: {  	v9 =	vand.u32 $0xFFF0, v9;
	v8 =	vor.u32 v1, v8;
	[tilespmem:v3+s12+$0x0] =	vst.idx.add.s32.msk $0xffff, v2;
	v3 =	vshrl.u32 v10, $0x10  }
0x1a2: {  	[tilespmem:v4+s12+$0x0] =	vst.idx.add.s32.msk $0xffff, v2;
	v4 =	vor.u32 v1, v9;
	v3 =	vand.u32 $0xFFF0, v3  }
0x1a3: {  	[tilespmem:v5+s12+$0x0] =	vst.idx.add.s32.msk $0xffff, v2;
	v3 =	vor.u32 v1, v3  }
0x1a4: {  	[tilespmem:v7+s12+$0x0] =	vst.idx.add.s32.msk $0xffff, v2  }
0x1a5: {  	[tilespmem:v6+s12+$0x0] =	vst.idx.add.s32.msk $0xffff, v2  }
0x1a6: {  	[tilespmem:v8+s12+$0x0] =	vst.idx.add.s32.msk $0xffff, v2  }
0x1a7: {  	[tilespmem:v4+s12+$0x0] =	vst.idx.add.s32.msk $0xffff, v2  }
0x1a8: {  	[tilespmem:v3+s12+$0x0] =	vst.idx.add.s32.msk $0xffff, v2  }
0x1a9: {  	s19 =	simm.s32 $0x0;
	s20 =	simm.s32 $0x3080;
	v3 =	vld [tilespmem:s18+$0x0]  }
.LBB2_12:
0x1aa: {  	s19 =	sadd.s32 $0x2, s19;
	v4 =	vld [tilespmem:s18+$0x10];
	s20 =	sadd.s32 $0x100, s20  }
0x1ab: {  	p0 =	slt.u32 s19, $0x5E;
	v5 =	vld [tilespmem:s18+$0x20]  }
0x1ac: {  	v6 =	vld [tilespmem:s18+$0x30]  }
0x1ad: {  	v7 =	vld [tilespmem:s18+$0x40]  }
0x1ae: {  	v8 =	vshra.s32 v3, $0x1F  }
0x1af: {  	v8 =	vor.u32 $0x80000000, v8;
	v9 =	vshra.s32 v4, $0x1F  }
0x1b0: {  	v3 =	vxor.u32 v3, v8;
	v8 =	vor.u32 $0x80000000, v9;
	v9 =	vshra.s32 v5, $0x1F  }
0x1b1: {  	v10 =	vld [tilespmem:s18+$0x50];
	v3 =	vshrl.u32 v3, $0x10;
	v4 =	vxor.u32 v4, v8;
	v8 =	vshra.s32 v6, $0x1F  }
0x1b2: {  	v9 =	vor.u32 $0x80000000, v9;
	v4 =	vshrl.u32 v4, $0x10;
	v3 =	vand.u32 $0xFFF0, v3  }
0x1b3: {  	v11 =	vshra.s32 v7, $0x1F;
	v3 =	vor.u32 v1, v3;
	v4 =	vand.u32 $0xFFF0, v4  }
0x1b4: {  	v5 =	vxor.u32 v5, v9;
	v9 =	vor.u32 $0x80000000, v11;
	v12 =	vld [tilespmem:s18+$0x60];
	v4 =	vor.u32 v1, v4  }
0x1b5: {  	v8 =	vor.u32 $0x80000000, v8;
	v5 =	vshrl.u32 v5, $0x10;
	v7 =	vxor.u32 v7, v9  }
0x1b6: {  	v6 =	vxor.u32 v6, v8;
	v5 =	vand.u32 $0xFFF0, v5;
	v7 =	vshrl.u32 v7, $0x10;
	v9 =	vld [tilespmem:s18+$0x70];
	s18 =	smov.u32 s20  }
0x1b7: {  	v6 =	vshrl.u32 v6, $0x10;
	v5 =	vor.u32 v1, v5;
	v7 =	vand.u32 $0xFFF0, v7  }
0x1b8: {  	v8 =	vshra.s32 v10, $0x1F;
	[tilespmem:v3+s12+$0x0] =	vst.idx.add.s32.msk $0xffff, v2;
	v3 =	vand.u32 $0xFFF0, v6  }
0x1b9: {  	v6 =	vor.u32 $0x80000000, v8;
	[tilespmem:v4+s12+$0x0] =	vst.idx.add.s32.msk $0xffff, v2;
	v3 =	vor.u32 v1, v3;
	v4 =	vor.u32 v1, v7  }
0x1ba: {  	v6 =	vxor.u32 v10, v6;
	v7 =	vshra.s32 v12, $0x1F  }
0x1bb: {  	v6 =	vshrl.u32 v6, $0x10;
	v7 =	vor.u32 $0x80000000, v7;
	v8 =	vshra.s32 v9, $0x1F  }
0x1bc: {  	v7 =	vxor.u32 v12, v7;
	v8 =	vor.u32 $0x80000000, v8;
	[tilespmem:v5+s12+$0x0] =	vst.idx.add.s32.msk $0xffff, v2;
	v5 =	vand.u32 $0xFFF0, v6  }
0x1bd: {  	v6 =	vshrl.u32 v7, $0x10;
	v7 =	vxor.u32 v9, v8;
	v5 =	vor.u32 v1, v5  }
0x1be: {  	v7 =	vshrl.u32 v7, $0x10;
	[tilespmem:v3+s12+$0x0] =	vst.idx.add.s32.msk $0xffff, v2;
	v3 =	vand.u32 $0xFFF0, v6  }
0x1bf: {  	[tilespmem:v4+s12+$0x0] =	vst.idx.add.s32.msk $0xffff, v2;
	v3 =	vor.u32 v1, v3;
	v4 =	vand.u32 $0xFFF0, v7  }
0x1c0: {  	v4 =	vor.u32 v1, v4;
	_ =	sdelay $0x1  }
0x1c1: {  	[tilespmem:v5+s12+$0x0] =	vst.idx.add.s32.msk $0xffff, v2;
	_ =	sdelay $0x1  }
0x1c2: {  	[tilespmem:v3+s12+$0x0] =	vst.idx.add.s32.msk $0xffff, v2  }
0x1c3: {  	[tilespmem:v4+s12+$0x0] =	vst.idx.add.s32.msk $0xffff, v2  }
0x1c4: {  	v3 =	vld [tilespmem:s20+$0xFFFFFFA0]  }
0x1c5: {  	v4 =	vld [tilespmem:s20+$0xFFFFFF80]  }
0x1c6: {  	v5 =	vld [tilespmem:s20+$0xFFFFFF90];
	_ =	sdelay $0x1  }
0x1c7: {  	v6 =	vld [tilespmem:s20+$0xFFFFFFB0]  }
0x1c8: {  	v7 =	vld [tilespmem:s20+$0xFFFFFFC0]  }
0x1c9: {  	v8 =	vld [tilespmem:s20+$0xFFFFFFD0];
	v9 =	vshra.s32 v4, $0x1F  }
0x1ca: {  	v9 =	vor.u32 $0x80000000, v9;
	v10 =	vshra.s32 v5, $0x1F  }
0x1cb: {  	v4 =	vxor.u32 v4, v9;
	v9 =	vor.u32 $0x80000000, v10;
	v10 =	vshra.s32 v3, $0x1F  }
0x1cc: {  	v4 =	vshrl.u32 v4, $0x10;
	v5 =	vxor.u32 v5, v9;
	v9 =	vor.u32 $0x80000000, v10  }
0x1cd: {  	v5 =	vshrl.u32 v5, $0x10;
	v3 =	vxor.u32 v3, v9;
	v4 =	vand.u32 $0xFFF0, v4  }
0x1ce: {  	v9 =	vshra.s32 v7, $0x1F;
	v3 =	vshrl.u32 v3, $0x10;
	v4 =	vor.u32 v1, v4  }
0x1cf: {  	v9 =	vor.u32 $0x80000000, v9;
	v11 =	vshra.s32 v8, $0x1F;
	v10 =	vld [tilespmem:s20+$0xFFFFFFE0];
	v3 =	vand.u32 $0xFFF0, v3  }
0x1d0: {  	v5 =	vand.u32 $0xFFF0, v5;
	v7 =	vxor.u32 v7, v9;
	v12 =	vld [tilespmem:s20+$0xFFFFFFF0];
	v3 =	vor.u32 v1, v3  }
0x1d1: {  	v9 =	vshra.s32 v6, $0x1F;
	v11 =	vor.u32 $0x80000000, v11;
	v7 =	vshrl.u32 v7, $0x10  }
0x1d2: {  	v9 =	vor.u32 $0x80000000, v9;
	v8 =	vxor.u32 v8, v11;
	v7 =	vand.u32 $0xFFF0, v7  }
0x1d3: {  	v6 =	vxor.u32 v6, v9;
	v8 =	vshrl.u32 v8, $0x10;
	[tilespmem:v4+s12+$0x0] =	vst.idx.add.s32.msk $0xffff, v2;
	v4 =	vor.u32 v1, v5  }
0x1d4: {  	v7 =	vor.u32 v1, v7;
	v5 =	vshrl.u32 v6, $0x10;
	v6 =	vshra.s32 v10, $0x1F  }
0x1d5: {  	v5 =	vand.u32 $0xFFF0, v5;
	v6 =	vor.u32 $0x80000000, v6;
	v9 =	vshra.s32 v12, $0x1F  }
0x1d6: {  	v5 =	vor.u32 v1, v5;
	v6 =	vxor.u32 v10, v6;
	v9 =	vor.u32 $0x80000000, v9  }
0x1d7: {  	v8 =	vand.u32 $0xFFF0, v8;
	v6 =	vshrl.u32 v6, $0x10;
	v9 =	vxor.u32 v12, v9  }
0x1d8: {  	v8 =	vor.u32 v1, v8;
	v9 =	vshrl.u32 v9, $0x10;
	v6 =	vand.u32 $0xFFF0, v6  }
0x1d9: {  	[tilespmem:v4+s12+$0x0] =	vst.idx.add.s32.msk $0xffff, v2;
	v4 =	vor.u32 v1, v6;
	v6 =	vand.u32 $0xFFF0, v9  }
0x1da: {  	[tilespmem:v3+s12+$0x0] =	vst.idx.add.s32.msk $0xffff, v2;
	v3 =	vor.u32 v1, v6  }
0x1db: {  	[tilespmem:v5+s12+$0x0] =	vst.idx.add.s32.msk $0xffff, v2  }
.Ltmp5:
0x1dc: {  	[tilespmem:v7+s12+$0x0] =	vst.idx.add.s32.msk $0xffff, v2;
	(pc) =	sbr.rel @p0 .LBB2_12-.Ltmp5, $4  }
0x1dd: {  	[tilespmem:v8+s12+$0x0] =	vst.idx.add.s32.msk $0xffff, v2  }
0x1de: {  	[tilespmem:v4+s12+$0x0] =	vst.idx.add.s32.msk $0xffff, v2  }
0x1df: {  	[tilespmem:v3+s12+$0x0] =	vst.idx.add.s32.msk $0xffff, v2  }
0x1e0: {  	v3 =	vld [tilespmem:s20+$0x0]  }
0x1e1: {  	v4 =	vld [tilespmem:s18+$0x10]  }
0x1e2: {  	v5 =	vld [tilespmem:s18+$0x20]  }
0x1e3: {  	v6 =	vld [tilespmem:s18+$0x30]  }
0x1e4: {  	v7 =	vld [tilespmem:s18+$0x40]  }
0x1e5: {  	v10 =	vld [tilespmem:s18+$0x50]  }
0x1e6: {  	v12 =	vld [tilespmem:s18+$0x60]  }
0x1e7: {  	v55 =	vld [tilespmem:s18+$0x70];
	_ =	sdelay $0x1  }
0x1e8: {  	v8 =	vshra.s32 v3, $0x1F  }
0x1e9: {  	v8 =	vor.u32 $0x80000000, v8;
	v9 =	vshra.s32 v4, $0x1F  }
0x1ea: {  	v52 =	vshra.s32 v5, $0x1F;
	v53 =	vshra.s32 v6, $0x1F;
	v11 =	vshra.s32 v7, $0x1F  }
0x1eb: {  	v56 =	vshra.s32 v10, $0x1F;
	v57 =	vshra.s32 v12, $0x1F;
	v59 =	vshra.s32 v55, $0x1F  }
0x1ec: {  	v3 =	vxor.u32 v3, v8;
	v51 =	vor.u32 $0x80000000, v9;
	v9 =	vor.u32 $0x80000000, v52  }
0x1ed: {  	v54 =	vor.u32 $0x80000000, v11;
	v8 =	vor.u32 $0x80000000, v53;
	v58 =	vor.u32 $0x80000000, v57  }
0x1ee: {  	v11 =	vor.u32 $0x80000000, v59;
	v3 =	vshrl.u32 v3, $0x10;
	v4 =	vxor.u32 v4, v51  }
0x1ef: {  	v5 =	vxor.u32 v5, v9;
	v7 =	vxor.u32 v7, v54;
	v6 =	vxor.u32 v6, v8  }
0x1f0: {  	v8 =	vor.u32 $0x80000000, v56;
	v9 =	vxor.u32 v55, v11;
	v4 =	vshrl.u32 v4, $0x10  }
0x1f1: {  	v3 =	vand.u32 $0xFFF0, v3;
	v5 =	vshrl.u32 v5, $0x10;
	v7 =	vshrl.u32 v7, $0x10  }
0x1f2: {  	v6 =	vshrl.u32 v6, $0x10;
	v3 =	vor.u32 v1, v3;
	v4 =	vand.u32 $0xFFF0, v4  }
0x1f3: {  	v8 =	vxor.u32 v10, v8;
	v5 =	vand.u32 $0xFFF0, v5;
	v4 =	vor.u32 v1, v4  }
0x1f4: {  	v10 =	vxor.u32 v12, v58;
	v6 =	vand.u32 $0xFFF0, v6;
	v5 =	vor.u32 v1, v5  }
0x1f5: {  	v7 =	vand.u32 $0xFFF0, v7;
	v8 =	vshrl.u32 v8, $0x10;
	v6 =	vor.u32 v1, v6  }
0x1f6: {  	v10 =	vshrl.u32 v10, $0x10;
	v7 =	vor.u32 v1, v7;
	v8 =	vand.u32 $0xFFF0, v8  }
0x1f7: {  	v60 =	vshrl.u32 v9, $0x10;
	v61 =	vand.u32 $0xFFF0, v10;
	[tilespmem:v3+s12+$0x0] =	vst.idx.add.s32.msk $0xffff, v2;
	v3 =	vor.u32 v1, v8  }
0x1f8: {  	v62 =	vor.u32 v1, v61;
	v8 =	vand.u32 $0xFFF0, v60;
	[tilespmem:v4+s12+$0x0] =	vst.idx.add.s32.msk $0xffff, v2  }
0x1f9: {  	v63 =	vor.u32 v1, v8;
	[tilespmem:v5+s12+$0x0] =	vst.idx.add.s32.msk $0xffff, v2  }
0x1fa: {  	[tilespmem:v6+s12+$0x0] =	vst.idx.add.s32.msk $0xffff, v2  }
0x1fb: {  	[tilespmem:v7+s12+$0x0] =	vst.idx.add.s32.msk $0xffff, v2  }
0x1fc: {  	s17 =	sadd.s32 $0x1, s17;
	[tilespmem:v3+s12+$0x0] =	vst.idx.add.s32.msk $0xffff, v2  }
0x1fd: {  	p0 =	sne.s32 s17, s9;
	[tilespmem:v62+s12+$0x0] =	vst.idx.add.s32.msk $0xffff, v2  }
.Ltmp6:
0x1fe: {  	[tilespmem:v63+s12+$0x0] =	vst.idx.add.s32.msk $0xffff, v2;
	(pc) =	sbr.rel @p0 .LBB2_1-.Ltmp6, $4  }
0x1ff: {  	[hbm4b:s8+s14] =	stream.strided.scatter [tilespmem:s12], [sflag:$0x3], $0x10000, s15, s14, $0x38;
	[tilespmem:$0x16000] =	vst v63  }
0x200: {  	_ =	swait.ge [sflag:s16], $0x10000  }
0x201: {  	[sflag:s16] =	ssyncset.done $0x0  }
0x202: {  	[sflag:s16] =	ssyncadd.s32 $0xFFFF0000  }
0x203: {  	_ =	sfence.sel $0x180000  }
0x204: {  	[bflag:$0x0] =	sbarrier.arrive $0xFFFF  }
0x205: {  	p0 =	sne.s32 s1, $0x0;
	_ =	strace $0x90000047  }
0x206: {  	s0 =	sadd.s32 @!p0 $0x100000, s0;
	[bflag:$0x2] =	sbarrier.arrive $0xFFFF  }
0x207: {  	[sflag:s0] =	ssyncadd.tile.s32 @!p0 $0x1;
	_ =	shalt  }
.Lfunc_end2:
_tile_overlayer_lowered:
.L_overlay_start_2:
0x208: {  	(tag) =	ssettag $0x2  }
0x209: {  	s0 =	rddreg [dreg:$0x0];
	s2 =	stileid.u32  }
0x20a: {  	s1 =	rddreg [dreg:$0x1];
	p0 =	sne.s32 s2, $0x0  }
0x20b: {  	s3 =	rddreg [dreg:$0x2];
	[bflag:$0x3] =	sbarrier.arrive $0xFFFF;
	s2 =	simm.s32 @!p0 $0x1C03  }
0x20c: {  	[timem:s3], [sflag:s2] =	dma.local @!p0 [hbm:s0], s1  }
0x20d: {  	s0 =	simm.s32 @!p0 $0x3  }
0x20e: {  	_ =	swait.ge @!p0 [sflag:s0], s1  }
0x20f: {  	s1 =	ssub.s32 @!p0 $0x0, s1;
	[sflag:s0] =	ssyncset.done @!p0 $0x0  }
0x210: {  	[sflag:s0] =	ssyncadd.s32 @!p0 s1  }
0x211: {  	[bflag:$0x3] =	sbarrier.arrive $0xFFFF  }
0x212: {  	_ =	shalt  }

</sc_bundles>
